<compile_context>
chip_gen: v7x
topology: tpu7x:2x2x1
jax: 0.10.2.dev20260603
libtpu: 0.0.44.dev20260713+nightly
codegen_flags: <defaults>
</compile_context>

<pallas_src>
import functools

import jax
import jax.numpy as jnp
from jax import lax
from jax.experimental import pallas as pl
from jax.experimental.pallas import tpu as pltpu
from jax.experimental.pallas import tpu_sc as plsc

_NC, _NS, _L = 2, 16, 16
_A = 4096
_R = 26
_V = 1000
_W = 256
_NAS = _A // _W
_KA = 496
_KB = _V - _KA
_NG = _W // _L

_mesh = plsc.VectorSubcoreMesh(
    core_axis_name="c", subcore_axis_name="s",
    num_cores=_NC, num_subcores=_NS)


@functools.partial(
    pl.kernel,
    out_type=jax.ShapeDtypeStruct((_R, _V, _A), jnp.float32),
    mesh=_mesh,
    scratch_types=[
        pltpu.VMEM((_W,), jnp.int32),
        pltpu.VMEM((_KB, _W), jnp.float32),
        pltpu.SemaphoreType.DMA,
    ],
    compiler_params=pltpu.CompilerParams(needs_layout_passes=False),
)
def _sc_onehot_t(xt_hbm, z_hbm, out_hbm, xv, buf, sem):
    wid = lax.axis_index("s") * _NC + lax.axis_index("c")
    a0 = (wid % _NAS) * _W
    khalf = wid // _NAS
    k_lo = khalf * _KA
    rows = _KA + khalf * (_KB - _KA)

    pltpu.sync_copy(z_hbm, buf)

    zeros16 = jnp.zeros((_L,), jnp.float32)
    ones16 = jnp.ones((_L,), jnp.float32)
    lanes = lax.iota(jnp.int32, _L)

    def _scatter(val):
        for g in range(_NG):
            col = lanes + (g * _L)
            xs = xv[pl.ds(g * _L, _L)] - k_lo
            msk = jnp.logical_and(xs >= 0, xs < rows)
            plsc.store_scatter(buf, [xs, col], val, mask=msk)

    def _body(b, carry):
        pltpu.sync_copy(xt_hbm.at[b, pl.ds(a0, _W)], xv)
        _scatter(ones16)

        @pl.when(khalf == 0)
        def _():
            dst = out_hbm.at[b, pl.ds(0, _KA), pl.ds(a0, _W)]
            cp = pltpu.make_async_copy(buf.at[pl.ds(0, _KA)], dst, sem)
            cp.start()
            cp.wait()

        @pl.when(khalf == 1)
        def _():
            dst = out_hbm.at[b, pl.ds(_KA, _KB), pl.ds(a0, _W)]
            cp = pltpu.make_async_copy(buf, dst, sem)
            cp.start()
            cp.wait()

        _scatter(zeros16)
        return carry

    lax.fori_loop(0, _R, _body, 0)


def kernel(x, one_hot):
    del one_hot
    xt = x.T.astype(jnp.int32)
    z = jnp.zeros((_KB, _W), jnp.float32)
    out_t = _sc_onehot_t(xt, z)
    return jnp.transpose(out_t, (2, 0, 1))

# --- scband reference (transcript-rebuilt; emitter-appended) ---
"""Pipeline reference for scband-one-hot-58669253263968 (READ-ONLY COPY).

The authoritative reference and input builder live on the scoring server;
editing this copy changes nothing except your own understanding.
"""

import jax, jax.numpy as jnp
import numpy as np


def setup_inputs(seed: int = 0) -> dict:
    key = jax.random.key(seed)
    x = jax.random.randint(jax.random.fold_in(key, 0), (4096, 26), 0, 1000, dtype=jnp.int64)
    one_hot = jnp.eye(1000, dtype=jnp.float32)
    return {"x": x, "one_hot": one_hot}


def reference(x, one_hot):
    # F.embedding(x, eye(n)) == gather rows of the identity matrix -> one-hot encoding
    return jnp.take(one_hot, x, axis=0)

if __name__ == "__main__":
    import jax
    _d = setup_inputs()
    print(jax.jit(kernel)(*tuple(_d.values())))

</pallas_src>

<mosaic_0001>
#map = affine_map<(d0, d1) -> (0, 0)>
#map1 = affine_map<(d0, d1) -> (0, 0, 0)>
module attributes {stable_mosaic.version = 14 : i64} {
  func.func @_sc_onehot_t(%arg0: i32, %arg1: i32, %arg2: memref<26x4096xi32, #tpu.memory_space<hbm>>, %arg3: memref<504x256xf32, #tpu.memory_space<hbm>>, %arg4: memref<26x1000x4096xf32, #tpu.memory_space<hbm>>, %arg5: memref<256xi32, #tpu.memory_space<vmem>>, %arg6: memref<504x256xf32, #tpu.memory_space<vmem>>, %arg7: memref<!tpu.dma_semaphore, #tpu.memory_space<semaphore_mem>>) attributes {dimension_semantics = [#tpu.dimension_semantics<core_parallel>, #tpu.dimension_semantics<subcore_parallel>], iteration_bounds = array<i64: 2, 16>, scalar_prefetch = 0 : i64, scratch_operands = 3 : i64, tpu.core_type = #tpu.core_type<sc_vector_subcore>, window_params = [{transform_indices = #map}, {transform_indices = #map}, {transform_indices = #map1}]} {
    %mul3A = arith.constant 2 : i32
    %mul3A_0 = arith.muli %arg1, %mul3A : i32
    %add3A = arith.addi %mul3A_0, %arg0 : i32
    %jit3A = arith.constant 16 : i32
    %eq3A = arith.constant 0 : i32
    %eq3A_1 = arith.cmpi eq, %jit3A, %eq3A : i32
    %jit3A_2 = arith.constant 1 : i32
    %select_n3A = arith.select %eq3A_1, %jit3A_2, %jit3A : i32
    %rem3A = arith.remsi %add3A, %select_n3A : i32
    %ne3A = arith.constant 0 : i32
    %ne3A_3 = arith.cmpi ne, %rem3A, %ne3A : i32
    %lt3A = arith.constant 0 : i32
    %lt3A_4 = arith.cmpi slt, %rem3A, %lt3A : i32
    %lt3A_5 = arith.constant 0 : i32
    %lt3A_6 = arith.cmpi slt, %select_n3A, %lt3A_5 : i32
    %ne3A_7 = arith.xori %lt3A_4, %lt3A_6 : i1
    %and3A = arith.andi %ne3A_7, %ne3A_3 : i1
    %add3A_8 = arith.addi %rem3A, %select_n3A : i32
    %select_n3A_9 = arith.select %and3A, %add3A_8, %rem3A : i32
    %mul3A_10 = arith.constant 256 : i32
    %mul3A_11 = arith.muli %select_n3A_9, %mul3A_10 : i32
    %jit3A_12 = arith.constant 16 : i32
    %div3A = arith.divsi %add3A, %jit3A_12 : i32
    %sign3A = arith.constant 0 : i32
    %sign3A_13 = arith.cmpi sgt, %add3A, %sign3A : i32
    %sign3A_14 = arith.extui %sign3A_13 : i1 to i32
    %sign3A_15 = arith.constant 0 : i32
    %sign3A_16 = arith.cmpi slt, %add3A, %sign3A_15 : i32
    %sign3A_17 = arith.extui %sign3A_16 : i1 to i32
    %sign3A_18 = arith.subi %sign3A_14, %sign3A_17 : i32
    %sign3A_19 = arith.constant 0 : i32
    %sign3A_20 = arith.cmpi sgt, %jit3A_12, %sign3A_19 : i32
    %sign3A_21 = arith.extui %sign3A_20 : i1 to i32
    %sign3A_22 = arith.constant 0 : i32
    %sign3A_23 = arith.cmpi slt, %jit3A_12, %sign3A_22 : i32
    %sign3A_24 = arith.extui %sign3A_23 : i1 to i32
    %sign3A_25 = arith.subi %sign3A_21, %sign3A_24 : i32
    %ne3A_26 = arith.cmpi ne, %sign3A_18, %sign3A_25 : i32
    %rem3A_27 = arith.remsi %add3A, %jit3A_12 : i32
    %ne3A_28 = arith.constant 0 : i32
    %ne3A_29 = arith.cmpi ne, %rem3A_27, %ne3A_28 : i32
    %and3A_30 = arith.andi %ne3A_26, %ne3A_29 : i1
    %sub3A = arith.constant 1 : i32
    %sub3A_31 = arith.subi %div3A, %sub3A : i32
    %select_n3A_32 = arith.select %and3A_30, %sub3A_31, %div3A : i32
    %mul3A_33 = arith.constant 496 : i32
    %mul3A_34 = arith.muli %select_n3A_32, %mul3A_33 : i32
    %mul3A_35 = arith.constant 8 : i32
    %mul3A_36 = arith.muli %select_n3A_32, %mul3A_35 : i32
    %add3A_37 = arith.constant 496 : i32
    %add3A_38 = arith.addi %add3A_37, %mul3A_36 : i32
    "tpu.region"() ({
      %run_scoped3A = tpu.sem_alloc : memref<!tpu.dma_semaphore, #tpu.memory_space<semaphore_mem>>
      tpu.enqueue_dma source(%arg3 : memref<504x256xf32, #tpu.memory_space<hbm>>) target(%arg6 : memref<504x256xf32, #tpu.memory_space<vmem>>) target_semaphore(%run_scoped3A : memref<!tpu.dma_semaphore, #tpu.memory_space<semaphore_mem>>)
      tpu.wait_dma2 semaphore(%run_scoped3A : memref<!tpu.dma_semaphore, #tpu.memory_space<semaphore_mem>>) src(%arg3 : memref<504x256xf32, #tpu.memory_space<hbm>>) dst(%arg6 : memref<504x256xf32, #tpu.memory_space<vmem>>)
      tpu.yield
    }) : () -> ()
    %broadcast_in_dim3A = arith.constant 0.000000e+00 : f32
    %broadcast_in_dim3A_39 = vector.broadcast %broadcast_in_dim3A : f32 to vector<16xf32>
    %broadcast_in_dim3A_40 = arith.constant 1.000000e+00 : f32
    %broadcast_in_dim3A_41 = vector.broadcast %broadcast_in_dim3A_40 : f32 to vector<16xf32>
    %iota3A = tpu.iota {dimensions = array<i32: 0>} : vector<16xi32>
    %scan3A = arith.constant 0 : i32
    %scan3A_42 = arith.constant 0 : i32
    %scan3A_43 = arith.constant 26 : i32
    %scan3A_44 = arith.addi %scan3A_42, %scan3A_43 : i32
    %scan3A_45 = arith.constant 1 : i32
    scf.for %scan3A_47 = %scan3A_42 to %scan3A_44 step %scan3A_45  : i32 {
      "tpu.region"() ({
        %run_scoped3A = tpu.sem_alloc : memref<!tpu.dma_semaphore, #tpu.memory_space<semaphore_mem>>
        %dma_start3A = tpu.memref_slice %arg2[%scan3A_47, %mul3A_11] : memref<26x4096xi32, #tpu.memory_space<hbm>> -> memref<1x256xi32, #tpu.memory_space<hbm>>
        %dma_start3A_470 = tpu.memref_squeeze %dma_start3A : memref<1x256xi32, #tpu.memory_space<hbm>> -> memref<256xi32, #tpu.memory_space<hbm>>
        %dma_start3A_471 = tpu.memref_slice %arg2[%scan3A_47, %mul3A_11] : memref<26x4096xi32, #tpu.memory_space<hbm>> -> memref<1x256xi32, #tpu.memory_space<hbm>>
        %dma_start3A_472 = tpu.memref_squeeze %dma_start3A_471 : memref<1x256xi32, #tpu.memory_space<hbm>> -> memref<256xi32, #tpu.memory_space<hbm>>
        tpu.enqueue_dma source(%dma_start3A_472 : memref<256xi32, #tpu.memory_space<hbm>>) target(%arg5 : memref<256xi32, #tpu.memory_space<vmem>>) target_semaphore(%run_scoped3A : memref<!tpu.dma_semaphore, #tpu.memory_space<semaphore_mem>>)
        %dma_wait3A = tpu.memref_slice %arg2[%scan3A_47, %mul3A_11] : memref<26x4096xi32, #tpu.memory_space<hbm>> -> memref<1x256xi32, #tpu.memory_space<hbm>>
        %dma_wait3A_473 = tpu.memref_squeeze %dma_wait3A : memref<1x256xi32, #tpu.memory_space<hbm>> -> memref<256xi32, #tpu.memory_space<hbm>>
        %dma_wait3A_474 = tpu.memref_slice %arg2[%scan3A_47, %mul3A_11] : memref<26x4096xi32, #tpu.memory_space<hbm>> -> memref<1x256xi32, #tpu.memory_space<hbm>>
        %dma_wait3A_475 = tpu.memref_squeeze %dma_wait3A_474 : memref<1x256xi32, #tpu.memory_space<hbm>> -> memref<256xi32, #tpu.memory_space<hbm>>
        tpu.wait_dma2 semaphore(%run_scoped3A : memref<!tpu.dma_semaphore, #tpu.memory_space<semaphore_mem>>) src(%dma_wait3A_475 : memref<256xi32, #tpu.memory_space<hbm>>) dst(%arg5 : memref<256xi32, #tpu.memory_space<vmem>>)
        tpu.yield
      }) : () -> ()
      %add3A_48 = arith.constant 0 : i32
      %add3A_49 = vector.broadcast %add3A_48 : i32 to vector<16xi32>
      %add3A_50 = arith.addi %iota3A, %add3A_49 : vector<16xi32>
      %get3A = arith.constant 0 : index
      %get3A_51 = tpu.vector_load %arg5[%get3A] {strides = array<i32>} : memref<256xi32, #tpu.memory_space<vmem>>, vector<16xi32>,
      %sub3A_52 = vector.broadcast %mul3A_34 : i32 to vector<16xi32>
      %sub3A_53 = arith.subi %get3A_51, %sub3A_52 : vector<16xi32>
      %ge3A = arith.constant 0 : i32
      %ge3A_54 = vector.broadcast %ge3A : i32 to vector<16xi32>
      %ge3A_55 = arith.cmpi sge, %sub3A_53, %ge3A_54 : vector<16xi32>
      %lt3A_56 = vector.broadcast %add3A_38 : i32 to vector<16xi32>
      %lt3A_57 = arith.cmpi slt, %sub3A_53, %lt3A_56 : vector<16xi32>
      %and3A_58 = arith.andi %ge3A_55, %lt3A_57 : vector<16xi1>
      tpu.vector_store_idx %arg6[%sub3A_53, %add3A_50], %broadcast_in_dim3A_41 masked %and3A_58 : memref<504x256xf32, #tpu.memory_space<vmem>>[vector<16xi32>, vector<16xi32>], vector<16xf32>, vector<16xi1>
      %add3A_59 = arith.constant 16 : i32
      %add3A_60 = vector.broadcast %add3A_59 : i32 to vector<16xi32>
      %add3A_61 = arith.addi %iota3A, %add3A_60 : vector<16xi32>
      %get3A_62 = arith.constant 16 : index
      %get3A_63 = tpu.vector_load %arg5[%get3A_62] {strides = array<i32>} : memref<256xi32, #tpu.memory_space<vmem>>, vector<16xi32>,
      %sub3A_64 = vector.broadcast %mul3A_34 : i32 to vector<16xi32>
      %sub3A_65 = arith.subi %get3A_63, %sub3A_64 : vector<16xi32>
      %ge3A_66 = arith.constant 0 : i32
      %ge3A_67 = vector.broadcast %ge3A_66 : i32 to vector<16xi32>
      %ge3A_68 = arith.cmpi sge, %sub3A_65, %ge3A_67 : vector<16xi32>
      %lt3A_69 = vector.broadcast %add3A_38 : i32 to vector<16xi32>
      %lt3A_70 = arith.cmpi slt, %sub3A_65, %lt3A_69 : vector<16xi32>
      %and3A_71 = arith.andi %ge3A_68, %lt3A_70 : vector<16xi1>
      tpu.vector_store_idx %arg6[%sub3A_65, %add3A_61], %broadcast_in_dim3A_41 masked %and3A_71 : memref<504x256xf32, #tpu.memory_space<vmem>>[vector<16xi32>, vector<16xi32>], vector<16xf32>, vector<16xi1>
      %add3A_72 = arith.constant 32 : i32
      %add3A_73 = vector.broadcast %add3A_72 : i32 to vector<16xi32>
      %add3A_74 = arith.addi %iota3A, %add3A_73 : vector<16xi32>
      %get3A_75 = arith.constant 32 : index
      %get3A_76 = tpu.vector_load %arg5[%get3A_75] {strides = array<i32>} : memref<256xi32, #tpu.memory_space<vmem>>, vector<16xi32>,
      %sub3A_77 = vector.broadcast %mul3A_34 : i32 to vector<16xi32>
      %sub3A_78 = arith.subi %get3A_76, %sub3A_77 : vector<16xi32>
      %ge3A_79 = arith.constant 0 : i32
      %ge3A_80 = vector.broadcast %ge3A_79 : i32 to vector<16xi32>
      %ge3A_81 = arith.cmpi sge, %sub3A_78, %ge3A_80 : vector<16xi32>
      %lt3A_82 = vector.broadcast %add3A_38 : i32 to vector<16xi32>
      %lt3A_83 = arith.cmpi slt, %sub3A_78, %lt3A_82 : vector<16xi32>
      %and3A_84 = arith.andi %ge3A_81, %lt3A_83 : vector<16xi1>
      tpu.vector_store_idx %arg6[%sub3A_78, %add3A_74], %broadcast_in_dim3A_41 masked %and3A_84 : memref<504x256xf32, #tpu.memory_space<vmem>>[vector<16xi32>, vector<16xi32>], vector<16xf32>, vector<16xi1>
      %add3A_85 = arith.constant 48 : i32
      %add3A_86 = vector.broadcast %add3A_85 : i32 to vector<16xi32>
      %add3A_87 = arith.addi %iota3A, %add3A_86 : vector<16xi32>
      %get3A_88 = arith.constant 48 : index
      %get3A_89 = tpu.vector_load %arg5[%get3A_88] {strides = array<i32>} : memref<256xi32, #tpu.memory_space<vmem>>, vector<16xi32>,
      %sub3A_90 = vector.broadcast %mul3A_34 : i32 to vector<16xi32>
      %sub3A_91 = arith.subi %get3A_89, %sub3A_90 : vector<16xi32>
      %ge3A_92 = arith.constant 0 : i32
      %ge3A_93 = vector.broadcast %ge3A_92 : i32 to vector<16xi32>
      %ge3A_94 = arith.cmpi sge, %sub3A_91, %ge3A_93 : vector<16xi32>
      %lt3A_95 = vector.broadcast %add3A_38 : i32 to vector<16xi32>
      %lt3A_96 = arith.cmpi slt, %sub3A_91, %lt3A_95 : vector<16xi32>
      %and3A_97 = arith.andi %ge3A_94, %lt3A_96 : vector<16xi1>
      tpu.vector_store_idx %arg6[%sub3A_91, %add3A_87], %broadcast_in_dim3A_41 masked %and3A_97 : memref<504x256xf32, #tpu.memory_space<vmem>>[vector<16xi32>, vector<16xi32>], vector<16xf32>, vector<16xi1>
      %add3A_98 = arith.constant 64 : i32
      %add3A_99 = vector.broadcast %add3A_98 : i32 to vector<16xi32>
      %add3A_100 = arith.addi %iota3A, %add3A_99 : vector<16xi32>
      %get3A_101 = arith.constant 64 : index
      %get3A_102 = tpu.vector_load %arg5[%get3A_101] {strides = array<i32>} : memref<256xi32, #tpu.memory_space<vmem>>, vector<16xi32>,
      %sub3A_103 = vector.broadcast %mul3A_34 : i32 to vector<16xi32>
      %sub3A_104 = arith.subi %get3A_102, %sub3A_103 : vector<16xi32>
      %ge3A_105 = arith.constant 0 : i32
      %ge3A_106 = vector.broadcast %ge3A_105 : i32 to vector<16xi32>
      %ge3A_107 = arith.cmpi sge, %sub3A_104, %ge3A_106 : vector<16xi32>
      %lt3A_108 = vector.broadcast %add3A_38 : i32 to vector<16xi32>
      %lt3A_109 = arith.cmpi slt, %sub3A_104, %lt3A_108 : vector<16xi32>
      %and3A_110 = arith.andi %ge3A_107, %lt3A_109 : vector<16xi1>
      tpu.vector_store_idx %arg6[%sub3A_104, %add3A_100], %broadcast_in_dim3A_41 masked %and3A_110 : memref<504x256xf32, #tpu.memory_space<vmem>>[vector<16xi32>, vector<16xi32>], vector<16xf32>, vector<16xi1>
      %add3A_111 = arith.constant 80 : i32
      %add3A_112 = vector.broadcast %add3A_111 : i32 to vector<16xi32>
      %add3A_113 = arith.addi %iota3A, %add3A_112 : vector<16xi32>
      %get3A_114 = arith.constant 80 : index
      %get3A_115 = tpu.vector_load %arg5[%get3A_114] {strides = array<i32>} : memref<256xi32, #tpu.memory_space<vmem>>, vector<16xi32>,
      %sub3A_116 = vector.broadcast %mul3A_34 : i32 to vector<16xi32>
      %sub3A_117 = arith.subi %get3A_115, %sub3A_116 : vector<16xi32>
      %ge3A_118 = arith.constant 0 : i32
      %ge3A_119 = vector.broadcast %ge3A_118 : i32 to vector<16xi32>
      %ge3A_120 = arith.cmpi sge, %sub3A_117, %ge3A_119 : vector<16xi32>
      %lt3A_121 = vector.broadcast %add3A_38 : i32 to vector<16xi32>
      %lt3A_122 = arith.cmpi slt, %sub3A_117, %lt3A_121 : vector<16xi32>
      %and3A_123 = arith.andi %ge3A_120, %lt3A_122 : vector<16xi1>
      tpu.vector_store_idx %arg6[%sub3A_117, %add3A_113], %broadcast_in_dim3A_41 masked %and3A_123 : memref<504x256xf32, #tpu.memory_space<vmem>>[vector<16xi32>, vector<16xi32>], vector<16xf32>, vector<16xi1>
      %add3A_124 = arith.constant 96 : i32
      %add3A_125 = vector.broadcast %add3A_124 : i32 to vector<16xi32>
      %add3A_126 = arith.addi %iota3A, %add3A_125 : vector<16xi32>
      %get3A_127 = arith.constant 96 : index
      %get3A_128 = tpu.vector_load %arg5[%get3A_127] {strides = array<i32>} : memref<256xi32, #tpu.memory_space<vmem>>, vector<16xi32>,
      %sub3A_129 = vector.broadcast %mul3A_34 : i32 to vector<16xi32>
      %sub3A_130 = arith.subi %get3A_128, %sub3A_129 : vector<16xi32>
      %ge3A_131 = arith.constant 0 : i32
      %ge3A_132 = vector.broadcast %ge3A_131 : i32 to vector<16xi32>
      %ge3A_133 = arith.cmpi sge, %sub3A_130, %ge3A_132 : vector<16xi32>
      %lt3A_134 = vector.broadcast %add3A_38 : i32 to vector<16xi32>
      %lt3A_135 = arith.cmpi slt, %sub3A_130, %lt3A_134 : vector<16xi32>
      %and3A_136 = arith.andi %ge3A_133, %lt3A_135 : vector<16xi1>
      tpu.vector_store_idx %arg6[%sub3A_130, %add3A_126], %broadcast_in_dim3A_41 masked %and3A_136 : memref<504x256xf32, #tpu.memory_space<vmem>>[vector<16xi32>, vector<16xi32>], vector<16xf32>, vector<16xi1>
      %add3A_137 = arith.constant 112 : i32
      %add3A_138 = vector.broadcast %add3A_137 : i32 to vector<16xi32>
      %add3A_139 = arith.addi %iota3A, %add3A_138 : vector<16xi32>
      %get3A_140 = arith.constant 112 : index
      %get3A_141 = tpu.vector_load %arg5[%get3A_140] {strides = array<i32>} : memref<256xi32, #tpu.memory_space<vmem>>, vector<16xi32>,
      %sub3A_142 = vector.broadcast %mul3A_34 : i32 to vector<16xi32>
      %sub3A_143 = arith.subi %get3A_141, %sub3A_142 : vector<16xi32>
      %ge3A_144 = arith.constant 0 : i32
      %ge3A_145 = vector.broadcast %ge3A_144 : i32 to vector<16xi32>
      %ge3A_146 = arith.cmpi sge, %sub3A_143, %ge3A_145 : vector<16xi32>
      %lt3A_147 = vector.broadcast %add3A_38 : i32 to vector<16xi32>
      %lt3A_148 = arith.cmpi slt, %sub3A_143, %lt3A_147 : vector<16xi32>
      %and3A_149 = arith.andi %ge3A_146, %lt3A_148 : vector<16xi1>
      tpu.vector_store_idx %arg6[%sub3A_143, %add3A_139], %broadcast_in_dim3A_41 masked %and3A_149 : memref<504x256xf32, #tpu.memory_space<vmem>>[vector<16xi32>, vector<16xi32>], vector<16xf32>, vector<16xi1>
      %add3A_150 = arith.constant 128 : i32
      %add3A_151 = vector.broadcast %add3A_150 : i32 to vector<16xi32>
      %add3A_152 = arith.addi %iota3A, %add3A_151 : vector<16xi32>
      %get3A_153 = arith.constant 128 : index
      %get3A_154 = tpu.vector_load %arg5[%get3A_153] {strides = array<i32>} : memref<256xi32, #tpu.memory_space<vmem>>, vector<16xi32>,
      %sub3A_155 = vector.broadcast %mul3A_34 : i32 to vector<16xi32>
      %sub3A_156 = arith.subi %get3A_154, %sub3A_155 : vector<16xi32>
      %ge3A_157 = arith.constant 0 : i32
      %ge3A_158 = vector.broadcast %ge3A_157 : i32 to vector<16xi32>
      %ge3A_159 = arith.cmpi sge, %sub3A_156, %ge3A_158 : vector<16xi32>
      %lt3A_160 = vector.broadcast %add3A_38 : i32 to vector<16xi32>
      %lt3A_161 = arith.cmpi slt, %sub3A_156, %lt3A_160 : vector<16xi32>
      %and3A_162 = arith.andi %ge3A_159, %lt3A_161 : vector<16xi1>
      tpu.vector_store_idx %arg6[%sub3A_156, %add3A_152], %broadcast_in_dim3A_41 masked %and3A_162 : memref<504x256xf32, #tpu.memory_space<vmem>>[vector<16xi32>, vector<16xi32>], vector<16xf32>, vector<16xi1>
      %add3A_163 = arith.constant 144 : i32
      %add3A_164 = vector.broadcast %add3A_163 : i32 to vector<16xi32>
      %add3A_165 = arith.addi %iota3A, %add3A_164 : vector<16xi32>
      %get3A_166 = arith.constant 144 : index
      %get3A_167 = tpu.vector_load %arg5[%get3A_166] {strides = array<i32>} : memref<256xi32, #tpu.memory_space<vmem>>, vector<16xi32>,
      %sub3A_168 = vector.broadcast %mul3A_34 : i32 to vector<16xi32>
      %sub3A_169 = arith.subi %get3A_167, %sub3A_168 : vector<16xi32>
      %ge3A_170 = arith.constant 0 : i32
      %ge3A_171 = vector.broadcast %ge3A_170 : i32 to vector<16xi32>
      %ge3A_172 = arith.cmpi sge, %sub3A_169, %ge3A_171 : vector<16xi32>
      %lt3A_173 = vector.broadcast %add3A_38 : i32 to vector<16xi32>
      %lt3A_174 = arith.cmpi slt, %sub3A_169, %lt3A_173 : vector<16xi32>
      %and3A_175 = arith.andi %ge3A_172, %lt3A_174 : vector<16xi1>
      tpu.vector_store_idx %arg6[%sub3A_169, %add3A_165], %broadcast_in_dim3A_41 masked %and3A_175 : memref<504x256xf32, #tpu.memory_space<vmem>>[vector<16xi32>, vector<16xi32>], vector<16xf32>, vector<16xi1>
      %add3A_176 = arith.constant 160 : i32
      %add3A_177 = vector.broadcast %add3A_176 : i32 to vector<16xi32>
      %add3A_178 = arith.addi %iota3A, %add3A_177 : vector<16xi32>
      %get3A_179 = arith.constant 160 : index
      %get3A_180 = tpu.vector_load %arg5[%get3A_179] {strides = array<i32>} : memref<256xi32, #tpu.memory_space<vmem>>, vector<16xi32>,
      %sub3A_181 = vector.broadcast %mul3A_34 : i32 to vector<16xi32>
      %sub3A_182 = arith.subi %get3A_180, %sub3A_181 : vector<16xi32>
      %ge3A_183 = arith.constant 0 : i32
      %ge3A_184 = vector.broadcast %ge3A_183 : i32 to vector<16xi32>
      %ge3A_185 = arith.cmpi sge, %sub3A_182, %ge3A_184 : vector<16xi32>
      %lt3A_186 = vector.broadcast %add3A_38 : i32 to vector<16xi32>
      %lt3A_187 = arith.cmpi slt, %sub3A_182, %lt3A_186 : vector<16xi32>
      %and3A_188 = arith.andi %ge3A_185, %lt3A_187 : vector<16xi1>
      tpu.vector_store_idx %arg6[%sub3A_182, %add3A_178], %broadcast_in_dim3A_41 masked %and3A_188 : memref<504x256xf32, #tpu.memory_space<vmem>>[vector<16xi32>, vector<16xi32>], vector<16xf32>, vector<16xi1>
      %add3A_189 = arith.constant 176 : i32
      %add3A_190 = vector.broadcast %add3A_189 : i32 to vector<16xi32>
      %add3A_191 = arith.addi %iota3A, %add3A_190 : vector<16xi32>
      %get3A_192 = arith.constant 176 : index
      %get3A_193 = tpu.vector_load %arg5[%get3A_192] {strides = array<i32>} : memref<256xi32, #tpu.memory_space<vmem>>, vector<16xi32>,
      %sub3A_194 = vector.broadcast %mul3A_34 : i32 to vector<16xi32>
      %sub3A_195 = arith.subi %get3A_193, %sub3A_194 : vector<16xi32>
      %ge3A_196 = arith.constant 0 : i32
      %ge3A_197 = vector.broadcast %ge3A_196 : i32 to vector<16xi32>
      %ge3A_198 = arith.cmpi sge, %sub3A_195, %ge3A_197 : vector<16xi32>
      %lt3A_199 = vector.broadcast %add3A_38 : i32 to vector<16xi32>
      %lt3A_200 = arith.cmpi slt, %sub3A_195, %lt3A_199 : vector<16xi32>
      %and3A_201 = arith.andi %ge3A_198, %lt3A_200 : vector<16xi1>
      tpu.vector_store_idx %arg6[%sub3A_195, %add3A_191], %broadcast_in_dim3A_41 masked %and3A_201 : memref<504x256xf32, #tpu.memory_space<vmem>>[vector<16xi32>, vector<16xi32>], vector<16xf32>, vector<16xi1>
      %add3A_202 = arith.constant 192 : i32
      %add3A_203 = vector.broadcast %add3A_202 : i32 to vector<16xi32>
      %add3A_204 = arith.addi %iota3A, %add3A_203 : vector<16xi32>
      %get3A_205 = arith.constant 192 : index
      %get3A_206 = tpu.vector_load %arg5[%get3A_205] {strides = array<i32>} : memref<256xi32, #tpu.memory_space<vmem>>, vector<16xi32>,
      %sub3A_207 = vector.broadcast %mul3A_34 : i32 to vector<16xi32>
      %sub3A_208 = arith.subi %get3A_206, %sub3A_207 : vector<16xi32>
      %ge3A_209 = arith.constant 0 : i32
      %ge3A_210 = vector.broadcast %ge3A_209 : i32 to vector<16xi32>
      %ge3A_211 = arith.cmpi sge, %sub3A_208, %ge3A_210 : vector<16xi32>
      %lt3A_212 = vector.broadcast %add3A_38 : i32 to vector<16xi32>
      %lt3A_213 = arith.cmpi slt, %sub3A_208, %lt3A_212 : vector<16xi32>
      %and3A_214 = arith.andi %ge3A_211, %lt3A_213 : vector<16xi1>
      tpu.vector_store_idx %arg6[%sub3A_208, %add3A_204], %broadcast_in_dim3A_41 masked %and3A_214 : memref<504x256xf32, #tpu.memory_space<vmem>>[vector<16xi32>, vector<16xi32>], vector<16xf32>, vector<16xi1>
      %add3A_215 = arith.constant 208 : i32
      %add3A_216 = vector.broadcast %add3A_215 : i32 to vector<16xi32>
      %add3A_217 = arith.addi %iota3A, %add3A_216 : vector<16xi32>
      %get3A_218 = arith.constant 208 : index
      %get3A_219 = tpu.vector_load %arg5[%get3A_218] {strides = array<i32>} : memref<256xi32, #tpu.memory_space<vmem>>, vector<16xi32>,
      %sub3A_220 = vector.broadcast %mul3A_34 : i32 to vector<16xi32>
      %sub3A_221 = arith.subi %get3A_219, %sub3A_220 : vector<16xi32>
      %ge3A_222 = arith.constant 0 : i32
      %ge3A_223 = vector.broadcast %ge3A_222 : i32 to vector<16xi32>
      %ge3A_224 = arith.cmpi sge, %sub3A_221, %ge3A_223 : vector<16xi32>
      %lt3A_225 = vector.broadcast %add3A_38 : i32 to vector<16xi32>
      %lt3A_226 = arith.cmpi slt, %sub3A_221, %lt3A_225 : vector<16xi32>
      %and3A_227 = arith.andi %ge3A_224, %lt3A_226 : vector<16xi1>
      tpu.vector_store_idx %arg6[%sub3A_221, %add3A_217], %broadcast_in_dim3A_41 masked %and3A_227 : memref<504x256xf32, #tpu.memory_space<vmem>>[vector<16xi32>, vector<16xi32>], vector<16xf32>, vector<16xi1>
      %add3A_228 = arith.constant 224 : i32
      %add3A_229 = vector.broadcast %add3A_228 : i32 to vector<16xi32>
      %add3A_230 = arith.addi %iota3A, %add3A_229 : vector<16xi32>
      %get3A_231 = arith.constant 224 : index
      %get3A_232 = tpu.vector_load %arg5[%get3A_231] {strides = array<i32>} : memref<256xi32, #tpu.memory_space<vmem>>, vector<16xi32>,
      %sub3A_233 = vector.broadcast %mul3A_34 : i32 to vector<16xi32>
      %sub3A_234 = arith.subi %get3A_232, %sub3A_233 : vector<16xi32>
      %ge3A_235 = arith.constant 0 : i32
      %ge3A_236 = vector.broadcast %ge3A_235 : i32 to vector<16xi32>
      %ge3A_237 = arith.cmpi sge, %sub3A_234, %ge3A_236 : vector<16xi32>
      %lt3A_238 = vector.broadcast %add3A_38 : i32 to vector<16xi32>
      %lt3A_239 = arith.cmpi slt, %sub3A_234, %lt3A_238 : vector<16xi32>
      %and3A_240 = arith.andi %ge3A_237, %lt3A_239 : vector<16xi1>
      tpu.vector_store_idx %arg6[%sub3A_234, %add3A_230], %broadcast_in_dim3A_41 masked %and3A_240 : memref<504x256xf32, #tpu.memory_space<vmem>>[vector<16xi32>, vector<16xi32>], vector<16xf32>, vector<16xi1>
      %add3A_241 = arith.constant 240 : i32
      %add3A_242 = vector.broadcast %add3A_241 : i32 to vector<16xi32>
      %add3A_243 = arith.addi %iota3A, %add3A_242 : vector<16xi32>
      %get3A_244 = arith.constant 240 : index
      %get3A_245 = tpu.vector_load %arg5[%get3A_244] {strides = array<i32>} : memref<256xi32, #tpu.memory_space<vmem>>, vector<16xi32>,
      %sub3A_246 = vector.broadcast %mul3A_34 : i32 to vector<16xi32>
      %sub3A_247 = arith.subi %get3A_245, %sub3A_246 : vector<16xi32>
      %ge3A_248 = arith.constant 0 : i32
      %ge3A_249 = vector.broadcast %ge3A_248 : i32 to vector<16xi32>
      %ge3A_250 = arith.cmpi sge, %sub3A_247, %ge3A_249 : vector<16xi32>
      %lt3A_251 = vector.broadcast %add3A_38 : i32 to vector<16xi32>
      %lt3A_252 = arith.cmpi slt, %sub3A_247, %lt3A_251 : vector<16xi32>
      %and3A_253 = arith.andi %ge3A_250, %lt3A_252 : vector<16xi1>
      tpu.vector_store_idx %arg6[%sub3A_247, %add3A_243], %broadcast_in_dim3A_41 masked %and3A_253 : memref<504x256xf32, #tpu.memory_space<vmem>>[vector<16xi32>, vector<16xi32>], vector<16xf32>, vector<16xi1>
      %eq3A_254 = arith.constant 0 : i32
      %eq3A_255 = arith.cmpi eq, %select_n3A_32, %eq3A_254 : i32
      %convert_element_type3A = arith.extui %eq3A_255 : i1 to i32
      %cond3A = arith.constant 0 : i32
      %cond3A_256 = arith.cmpi ne, %convert_element_type3A, %cond3A : i32
      scf.if %cond3A_256 {
        %dma_start3A = arith.constant 0 : i32
        %dma_start3A_470 = arith.constant 0 : i32
        %dma_start3A_471 = tpu.memref_slice %arg6[%dma_start3A, %dma_start3A_470] : memref<504x256xf32, #tpu.memory_space<vmem>> -> memref<496x256xf32, #tpu.memory_space<vmem>>
        %dma_start3A_472 = arith.constant 0 : i32
        %dma_start3A_473 = tpu.memref_slice %arg4[%scan3A_47, %dma_start3A_472, %mul3A_11] : memref<26x1000x4096xf32, #tpu.memory_space<hbm>> -> memref<1x496x256xf32, #tpu.memory_space<hbm>>
        %dma_start3A_474 = tpu.memref_squeeze %dma_start3A_473 : memref<1x496x256xf32, #tpu.memory_space<hbm>> -> memref<496x256xf32, #tpu.memory_space<hbm>>
        %dma_start3A_475 = arith.constant 0 : i32
        %dma_start3A_476 = tpu.memref_slice %arg4[%scan3A_47, %dma_start3A_475, %mul3A_11] : memref<26x1000x4096xf32, #tpu.memory_space<hbm>> -> memref<1x496x256xf32, #tpu.memory_space<hbm>>
        %dma_start3A_477 = tpu.memref_squeeze %dma_start3A_476 : memref<1x496x256xf32, #tpu.memory_space<hbm>> -> memref<496x256xf32, #tpu.memory_space<hbm>>
        %dma_start3A_478 = arith.constant 0 : i32
        %dma_start3A_479 = arith.constant 0 : i32
        %dma_start3A_480 = tpu.memref_slice %arg6[%dma_start3A_478, %dma_start3A_479] : memref<504x256xf32, #tpu.memory_space<vmem>> -> memref<496x256xf32, #tpu.memory_space<vmem>>
        tpu.enqueue_dma source(%dma_start3A_480 : memref<496x256xf32, #tpu.memory_space<vmem>>) target(%dma_start3A_477 : memref<496x256xf32, #tpu.memory_space<hbm>>) target_semaphore(%arg7 : memref<!tpu.dma_semaphore, #tpu.memory_space<semaphore_mem>>)
        %dma_wait3A = arith.constant 0 : i32
        %dma_wait3A_481 = arith.constant 0 : i32
        %dma_wait3A_482 = tpu.memref_slice %arg6[%dma_wait3A, %dma_wait3A_481] : memref<504x256xf32, #tpu.memory_space<vmem>> -> memref<496x256xf32, #tpu.memory_space<vmem>>
        %dma_wait3A_483 = arith.constant 0 : i32
        %dma_wait3A_484 = tpu.memref_slice %arg4[%scan3A_47, %dma_wait3A_483, %mul3A_11] : memref<26x1000x4096xf32, #tpu.memory_space<hbm>> -> memref<1x496x256xf32, #tpu.memory_space<hbm>>
        %dma_wait3A_485 = tpu.memref_squeeze %dma_wait3A_484 : memref<1x496x256xf32, #tpu.memory_space<hbm>> -> memref<496x256xf32, #tpu.memory_space<hbm>>
        %dma_wait3A_486 = arith.constant 0 : i32
        %dma_wait3A_487 = tpu.memref_slice %arg4[%scan3A_47, %dma_wait3A_486, %mul3A_11] : memref<26x1000x4096xf32, #tpu.memory_space<hbm>> -> memref<1x496x256xf32, #tpu.memory_space<hbm>>
        %dma_wait3A_488 = tpu.memref_squeeze %dma_wait3A_487 : memref<1x496x256xf32, #tpu.memory_space<hbm>> -> memref<496x256xf32, #tpu.memory_space<hbm>>
        %dma_wait3A_489 = arith.constant 0 : i32
        %dma_wait3A_490 = arith.constant 0 : i32
        %dma_wait3A_491 = tpu.memref_slice %arg6[%dma_wait3A_489, %dma_wait3A_490] : memref<504x256xf32, #tpu.memory_space<vmem>> -> memref<496x256xf32, #tpu.memory_space<vmem>>
        tpu.wait_dma2 semaphore(%arg7 : memref<!tpu.dma_semaphore, #tpu.memory_space<semaphore_mem>>) src(%dma_wait3A_491 : memref<496x256xf32, #tpu.memory_space<vmem>>) dst(%dma_wait3A_488 : memref<496x256xf32, #tpu.memory_space<hbm>>)
      } else {
      }
      %eq3A_257 = arith.constant 1 : i32
      %eq3A_258 = arith.cmpi eq, %select_n3A_32, %eq3A_257 : i32
      %convert_element_type3A_259 = arith.extui %eq3A_258 : i1 to i32
      %cond3A_260 = arith.constant 0 : i32
      %cond3A_261 = arith.cmpi ne, %convert_element_type3A_259, %cond3A_260 : i32
      scf.if %cond3A_261 {
        %dma_start3A = arith.constant 496 : i32
        %dma_start3A_470 = tpu.memref_slice %arg4[%scan3A_47, %dma_start3A, %mul3A_11] : memref<26x1000x4096xf32, #tpu.memory_space<hbm>> -> memref<1x504x256xf32, #tpu.memory_space<hbm>>
        %dma_start3A_471 = tpu.memref_squeeze %dma_start3A_470 : memref<1x504x256xf32, #tpu.memory_space<hbm>> -> memref<504x256xf32, #tpu.memory_space<hbm>>
        %dma_start3A_472 = arith.constant 496 : i32
        %dma_start3A_473 = tpu.memref_slice %arg4[%scan3A_47, %dma_start3A_472, %mul3A_11] : memref<26x1000x4096xf32, #tpu.memory_space<hbm>> -> memref<1x504x256xf32, #tpu.memory_space<hbm>>
        %dma_start3A_474 = tpu.memref_squeeze %dma_start3A_473 : memref<1x504x256xf32, #tpu.memory_space<hbm>> -> memref<504x256xf32, #tpu.memory_space<hbm>>
        tpu.enqueue_dma source(%arg6 : memref<504x256xf32, #tpu.memory_space<vmem>>) target(%dma_start3A_474 : memref<504x256xf32, #tpu.memory_space<hbm>>) target_semaphore(%arg7 : memref<!tpu.dma_semaphore, #tpu.memory_space<semaphore_mem>>)
        %dma_wait3A = arith.constant 496 : i32
        %dma_wait3A_475 = tpu.memref_slice %arg4[%scan3A_47, %dma_wait3A, %mul3A_11] : memref<26x1000x4096xf32, #tpu.memory_space<hbm>> -> memref<1x504x256xf32, #tpu.memory_space<hbm>>
        %dma_wait3A_476 = tpu.memref_squeeze %dma_wait3A_475 : memref<1x504x256xf32, #tpu.memory_space<hbm>> -> memref<504x256xf32, #tpu.memory_space<hbm>>
        %dma_wait3A_477 = arith.constant 496 : i32
        %dma_wait3A_478 = tpu.memref_slice %arg4[%scan3A_47, %dma_wait3A_477, %mul3A_11] : memref<26x1000x4096xf32, #tpu.memory_space<hbm>> -> memref<1x504x256xf32, #tpu.memory_space<hbm>>
        %dma_wait3A_479 = tpu.memref_squeeze %dma_wait3A_478 : memref<1x504x256xf32, #tpu.memory_space<hbm>> -> memref<504x256xf32, #tpu.memory_space<hbm>>
        tpu.wait_dma2 semaphore(%arg7 : memref<!tpu.dma_semaphore, #tpu.memory_space<semaphore_mem>>) src(%arg6 : memref<504x256xf32, #tpu.memory_space<vmem>>) dst(%dma_wait3A_479 : memref<504x256xf32, #tpu.memory_space<hbm>>)
      } else {
      }
      %add3A_262 = arith.constant 0 : i32
      %add3A_263 = vector.broadcast %add3A_262 : i32 to vector<16xi32>
      %add3A_264 = arith.addi %iota3A, %add3A_263 : vector<16xi32>
      %get3A_265 = arith.constant 0 : index
      %get3A_266 = tpu.vector_load %arg5[%get3A_265] {strides = array<i32>} : memref<256xi32, #tpu.memory_space<vmem>>, vector<16xi32>,
      %sub3A_267 = vector.broadcast %mul3A_34 : i32 to vector<16xi32>
      %sub3A_268 = arith.subi %get3A_266, %sub3A_267 : vector<16xi32>
      %ge3A_269 = arith.constant 0 : i32
      %ge3A_270 = vector.broadcast %ge3A_269 : i32 to vector<16xi32>
      %ge3A_271 = arith.cmpi sge, %sub3A_268, %ge3A_270 : vector<16xi32>
      %lt3A_272 = vector.broadcast %add3A_38 : i32 to vector<16xi32>
      %lt3A_273 = arith.cmpi slt, %sub3A_268, %lt3A_272 : vector<16xi32>
      %and3A_274 = arith.andi %ge3A_271, %lt3A_273 : vector<16xi1>
      tpu.vector_store_idx %arg6[%sub3A_268, %add3A_264], %broadcast_in_dim3A_39 masked %and3A_274 : memref<504x256xf32, #tpu.memory_space<vmem>>[vector<16xi32>, vector<16xi32>], vector<16xf32>, vector<16xi1>
      %add3A_275 = arith.constant 16 : i32
      %add3A_276 = vector.broadcast %add3A_275 : i32 to vector<16xi32>
      %add3A_277 = arith.addi %iota3A, %add3A_276 : vector<16xi32>
      %get3A_278 = arith.constant 16 : index
      %get3A_279 = tpu.vector_load %arg5[%get3A_278] {strides = array<i32>} : memref<256xi32, #tpu.memory_space<vmem>>, vector<16xi32>,
      %sub3A_280 = vector.broadcast %mul3A_34 : i32 to vector<16xi32>
      %sub3A_281 = arith.subi %get3A_279, %sub3A_280 : vector<16xi32>
      %ge3A_282 = arith.constant 0 : i32
      %ge3A_283 = vector.broadcast %ge3A_282 : i32 to vector<16xi32>
      %ge3A_284 = arith.cmpi sge, %sub3A_281, %ge3A_283 : vector<16xi32>
      %lt3A_285 = vector.broadcast %add3A_38 : i32 to vector<16xi32>
      %lt3A_286 = arith.cmpi slt, %sub3A_281, %lt3A_285 : vector<16xi32>
      %and3A_287 = arith.andi %ge3A_284, %lt3A_286 : vector<16xi1>
      tpu.vector_store_idx %arg6[%sub3A_281, %add3A_277], %broadcast_in_dim3A_39 masked %and3A_287 : memref<504x256xf32, #tpu.memory_space<vmem>>[vector<16xi32>, vector<16xi32>], vector<16xf32>, vector<16xi1>
      %add3A_288 = arith.constant 32 : i32
      %add3A_289 = vector.broadcast %add3A_288 : i32 to vector<16xi32>
      %add3A_290 = arith.addi %iota3A, %add3A_289 : vector<16xi32>
      %get3A_291 = arith.constant 32 : index
      %get3A_292 = tpu.vector_load %arg5[%get3A_291] {strides = array<i32>} : memref<256xi32, #tpu.memory_space<vmem>>, vector<16xi32>,
      %sub3A_293 = vector.broadcast %mul3A_34 : i32 to vector<16xi32>
      %sub3A_294 = arith.subi %get3A_292, %sub3A_293 : vector<16xi32>
      %ge3A_295 = arith.constant 0 : i32
      %ge3A_296 = vector.broadcast %ge3A_295 : i32 to vector<16xi32>
      %ge3A_297 = arith.cmpi sge, %sub3A_294, %ge3A_296 : vector<16xi32>
      %lt3A_298 = vector.broadcast %add3A_38 : i32 to vector<16xi32>
      %lt3A_299 = arith.cmpi slt, %sub3A_294, %lt3A_298 : vector<16xi32>
      %and3A_300 = arith.andi %ge3A_297, %lt3A_299 : vector<16xi1>
      tpu.vector_store_idx %arg6[%sub3A_294, %add3A_290], %broadcast_in_dim3A_39 masked %and3A_300 : memref<504x256xf32, #tpu.memory_space<vmem>>[vector<16xi32>, vector<16xi32>], vector<16xf32>, vector<16xi1>
      %add3A_301 = arith.constant 48 : i32
      %add3A_302 = vector.broadcast %add3A_301 : i32 to vector<16xi32>
      %add3A_303 = arith.addi %iota3A, %add3A_302 : vector<16xi32>
      %get3A_304 = arith.constant 48 : index
      %get3A_305 = tpu.vector_load %arg5[%get3A_304] {strides = array<i32>} : memref<256xi32, #tpu.memory_space<vmem>>, vector<16xi32>,
      %sub3A_306 = vector.broadcast %mul3A_34 : i32 to vector<16xi32>
      %sub3A_307 = arith.subi %get3A_305, %sub3A_306 : vector<16xi32>
      %ge3A_308 = arith.constant 0 : i32
      %ge3A_309 = vector.broadcast %ge3A_308 : i32 to vector<16xi32>
      %ge3A_310 = arith.cmpi sge, %sub3A_307, %ge3A_309 : vector<16xi32>
      %lt3A_311 = vector.broadcast %add3A_38 : i32 to vector<16xi32>
      %lt3A_312 = arith.cmpi slt, %sub3A_307, %lt3A_311 : vector<16xi32>
      %and3A_313 = arith.andi %ge3A_310, %lt3A_312 : vector<16xi1>
      tpu.vector_store_idx %arg6[%sub3A_307, %add3A_303], %broadcast_in_dim3A_39 masked %and3A_313 : memref<504x256xf32, #tpu.memory_space<vmem>>[vector<16xi32>, vector<16xi32>], vector<16xf32>, vector<16xi1>
      %add3A_314 = arith.constant 64 : i32
      %add3A_315 = vector.broadcast %add3A_314 : i32 to vector<16xi32>
      %add3A_316 = arith.addi %iota3A, %add3A_315 : vector<16xi32>
      %get3A_317 = arith.constant 64 : index
      %get3A_318 = tpu.vector_load %arg5[%get3A_317] {strides = array<i32>} : memref<256xi32, #tpu.memory_space<vmem>>, vector<16xi32>,
      %sub3A_319 = vector.broadcast %mul3A_34 : i32 to vector<16xi32>
      %sub3A_320 = arith.subi %get3A_318, %sub3A_319 : vector<16xi32>
      %ge3A_321 = arith.constant 0 : i32
      %ge3A_322 = vector.broadcast %ge3A_321 : i32 to vector<16xi32>
      %ge3A_323 = arith.cmpi sge, %sub3A_320, %ge3A_322 : vector<16xi32>
      %lt3A_324 = vector.broadcast %add3A_38 : i32 to vector<16xi32>
      %lt3A_325 = arith.cmpi slt, %sub3A_320, %lt3A_324 : vector<16xi32>
      %and3A_326 = arith.andi %ge3A_323, %lt3A_325 : vector<16xi1>
      tpu.vector_store_idx %arg6[%sub3A_320, %add3A_316], %broadcast_in_dim3A_39 masked %and3A_326 : memref<504x256xf32, #tpu.memory_space<vmem>>[vector<16xi32>, vector<16xi32>], vector<16xf32>, vector<16xi1>
      %add3A_327 = arith.constant 80 : i32
      %add3A_328 = vector.broadcast %add3A_327 : i32 to vector<16xi32>
      %add3A_329 = arith.addi %iota3A, %add3A_328 : vector<16xi32>
      %get3A_330 = arith.constant 80 : index
      %get3A_331 = tpu.vector_load %arg5[%get3A_330] {strides = array<i32>} : memref<256xi32, #tpu.memory_space<vmem>>, vector<16xi32>,
      %sub3A_332 = vector.broadcast %mul3A_34 : i32 to vector<16xi32>
      %sub3A_333 = arith.subi %get3A_331, %sub3A_332 : vector<16xi32>
      %ge3A_334 = arith.constant 0 : i32
      %ge3A_335 = vector.broadcast %ge3A_334 : i32 to vector<16xi32>
      %ge3A_336 = arith.cmpi sge, %sub3A_333, %ge3A_335 : vector<16xi32>
      %lt3A_337 = vector.broadcast %add3A_38 : i32 to vector<16xi32>
      %lt3A_338 = arith.cmpi slt, %sub3A_333, %lt3A_337 : vector<16xi32>
      %and3A_339 = arith.andi %ge3A_336, %lt3A_338 : vector<16xi1>
      tpu.vector_store_idx %arg6[%sub3A_333, %add3A_329], %broadcast_in_dim3A_39 masked %and3A_339 : memref<504x256xf32, #tpu.memory_space<vmem>>[vector<16xi32>, vector<16xi32>], vector<16xf32>, vector<16xi1>
      %add3A_340 = arith.constant 96 : i32
      %add3A_341 = vector.broadcast %add3A_340 : i32 to vector<16xi32>
      %add3A_342 = arith.addi %iota3A, %add3A_341 : vector<16xi32>
      %get3A_343 = arith.constant 96 : index
      %get3A_344 = tpu.vector_load %arg5[%get3A_343] {strides = array<i32>} : memref<256xi32, #tpu.memory_space<vmem>>, vector<16xi32>,
      %sub3A_345 = vector.broadcast %mul3A_34 : i32 to vector<16xi32>
      %sub3A_346 = arith.subi %get3A_344, %sub3A_345 : vector<16xi32>
      %ge3A_347 = arith.constant 0 : i32
      %ge3A_348 = vector.broadcast %ge3A_347 : i32 to vector<16xi32>
      %ge3A_349 = arith.cmpi sge, %sub3A_346, %ge3A_348 : vector<16xi32>
      %lt3A_350 = vector.broadcast %add3A_38 : i32 to vector<16xi32>
      %lt3A_351 = arith.cmpi slt, %sub3A_346, %lt3A_350 : vector<16xi32>
      %and3A_352 = arith.andi %ge3A_349, %lt3A_351 : vector<16xi1>
      tpu.vector_store_idx %arg6[%sub3A_346, %add3A_342], %broadcast_in_dim3A_39 masked %and3A_352 : memref<504x256xf32, #tpu.memory_space<vmem>>[vector<16xi32>, vector<16xi32>], vector<16xf32>, vector<16xi1>
      %add3A_353 = arith.constant 112 : i32
      %add3A_354 = vector.broadcast %add3A_353 : i32 to vector<16xi32>
      %add3A_355 = arith.addi %iota3A, %add3A_354 : vector<16xi32>
      %get3A_356 = arith.constant 112 : index
      %get3A_357 = tpu.vector_load %arg5[%get3A_356] {strides = array<i32>} : memref<256xi32, #tpu.memory_space<vmem>>, vector<16xi32>,
      %sub3A_358 = vector.broadcast %mul3A_34 : i32 to vector<16xi32>
      %sub3A_359 = arith.subi %get3A_357, %sub3A_358 : vector<16xi32>
      %ge3A_360 = arith.constant 0 : i32
      %ge3A_361 = vector.broadcast %ge3A_360 : i32 to vector<16xi32>
      %ge3A_362 = arith.cmpi sge, %sub3A_359, %ge3A_361 : vector<16xi32>
      %lt3A_363 = vector.broadcast %add3A_38 : i32 to vector<16xi32>
      %lt3A_364 = arith.cmpi slt, %sub3A_359, %lt3A_363 : vector<16xi32>
      %and3A_365 = arith.andi %ge3A_362, %lt3A_364 : vector<16xi1>
      tpu.vector_store_idx %arg6[%sub3A_359, %add3A_355], %broadcast_in_dim3A_39 masked %and3A_365 : memref<504x256xf32, #tpu.memory_space<vmem>>[vector<16xi32>, vector<16xi32>], vector<16xf32>, vector<16xi1>
      %add3A_366 = arith.constant 128 : i32
      %add3A_367 = vector.broadcast %add3A_366 : i32 to vector<16xi32>
      %add3A_368 = arith.addi %iota3A, %add3A_367 : vector<16xi32>
      %get3A_369 = arith.constant 128 : index
      %get3A_370 = tpu.vector_load %arg5[%get3A_369] {strides = array<i32>} : memref<256xi32, #tpu.memory_space<vmem>>, vector<16xi32>,
      %sub3A_371 = vector.broadcast %mul3A_34 : i32 to vector<16xi32>
      %sub3A_372 = arith.subi %get3A_370, %sub3A_371 : vector<16xi32>
      %ge3A_373 = arith.constant 0 : i32
      %ge3A_374 = vector.broadcast %ge3A_373 : i32 to vector<16xi32>
      %ge3A_375 = arith.cmpi sge, %sub3A_372, %ge3A_374 : vector<16xi32>
      %lt3A_376 = vector.broadcast %add3A_38 : i32 to vector<16xi32>
      %lt3A_377 = arith.cmpi slt, %sub3A_372, %lt3A_376 : vector<16xi32>
      %and3A_378 = arith.andi %ge3A_375, %lt3A_377 : vector<16xi1>
      tpu.vector_store_idx %arg6[%sub3A_372, %add3A_368], %broadcast_in_dim3A_39 masked %and3A_378 : memref<504x256xf32, #tpu.memory_space<vmem>>[vector<16xi32>, vector<16xi32>], vector<16xf32>, vector<16xi1>
      %add3A_379 = arith.constant 144 : i32
      %add3A_380 = vector.broadcast %add3A_379 : i32 to vector<16xi32>
      %add3A_381 = arith.addi %iota3A, %add3A_380 : vector<16xi32>
      %get3A_382 = arith.constant 144 : index
      %get3A_383 = tpu.vector_load %arg5[%get3A_382] {strides = array<i32>} : memref<256xi32, #tpu.memory_space<vmem>>, vector<16xi32>,
      %sub3A_384 = vector.broadcast %mul3A_34 : i32 to vector<16xi32>
      %sub3A_385 = arith.subi %get3A_383, %sub3A_384 : vector<16xi32>
      %ge3A_386 = arith.constant 0 : i32
      %ge3A_387 = vector.broadcast %ge3A_386 : i32 to vector<16xi32>
      %ge3A_388 = arith.cmpi sge, %sub3A_385, %ge3A_387 : vector<16xi32>
      %lt3A_389 = vector.broadcast %add3A_38 : i32 to vector<16xi32>
      %lt3A_390 = arith.cmpi slt, %sub3A_385, %lt3A_389 : vector<16xi32>
      %and3A_391 = arith.andi %ge3A_388, %lt3A_390 : vector<16xi1>
      tpu.vector_store_idx %arg6[%sub3A_385, %add3A_381], %broadcast_in_dim3A_39 masked %and3A_391 : memref<504x256xf32, #tpu.memory_space<vmem>>[vector<16xi32>, vector<16xi32>], vector<16xf32>, vector<16xi1>
      %add3A_392 = arith.constant 160 : i32
      %add3A_393 = vector.broadcast %add3A_392 : i32 to vector<16xi32>
      %add3A_394 = arith.addi %iota3A, %add3A_393 : vector<16xi32>
      %get3A_395 = arith.constant 160 : index
      %get3A_396 = tpu.vector_load %arg5[%get3A_395] {strides = array<i32>} : memref<256xi32, #tpu.memory_space<vmem>>, vector<16xi32>,
      %sub3A_397 = vector.broadcast %mul3A_34 : i32 to vector<16xi32>
      %sub3A_398 = arith.subi %get3A_396, %sub3A_397 : vector<16xi32>
      %ge3A_399 = arith.constant 0 : i32
      %ge3A_400 = vector.broadcast %ge3A_399 : i32 to vector<16xi32>
      %ge3A_401 = arith.cmpi sge, %sub3A_398, %ge3A_400 : vector<16xi32>
      %lt3A_402 = vector.broadcast %add3A_38 : i32 to vector<16xi32>
      %lt3A_403 = arith.cmpi slt, %sub3A_398, %lt3A_402 : vector<16xi32>
      %and3A_404 = arith.andi %ge3A_401, %lt3A_403 : vector<16xi1>
      tpu.vector_store_idx %arg6[%sub3A_398, %add3A_394], %broadcast_in_dim3A_39 masked %and3A_404 : memref<504x256xf32, #tpu.memory_space<vmem>>[vector<16xi32>, vector<16xi32>], vector<16xf32>, vector<16xi1>
      %add3A_405 = arith.constant 176 : i32
      %add3A_406 = vector.broadcast %add3A_405 : i32 to vector<16xi32>
      %add3A_407 = arith.addi %iota3A, %add3A_406 : vector<16xi32>
      %get3A_408 = arith.constant 176 : index
      %get3A_409 = tpu.vector_load %arg5[%get3A_408] {strides = array<i32>} : memref<256xi32, #tpu.memory_space<vmem>>, vector<16xi32>,
      %sub3A_410 = vector.broadcast %mul3A_34 : i32 to vector<16xi32>
      %sub3A_411 = arith.subi %get3A_409, %sub3A_410 : vector<16xi32>
      %ge3A_412 = arith.constant 0 : i32
      %ge3A_413 = vector.broadcast %ge3A_412 : i32 to vector<16xi32>
      %ge3A_414 = arith.cmpi sge, %sub3A_411, %ge3A_413 : vector<16xi32>
      %lt3A_415 = vector.broadcast %add3A_38 : i32 to vector<16xi32>
      %lt3A_416 = arith.cmpi slt, %sub3A_411, %lt3A_415 : vector<16xi32>
      %and3A_417 = arith.andi %ge3A_414, %lt3A_416 : vector<16xi1>
      tpu.vector_store_idx %arg6[%sub3A_411, %add3A_407], %broadcast_in_dim3A_39 masked %and3A_417 : memref<504x256xf32, #tpu.memory_space<vmem>>[vector<16xi32>, vector<16xi32>], vector<16xf32>, vector<16xi1>
      %add3A_418 = arith.constant 192 : i32
      %add3A_419 = vector.broadcast %add3A_418 : i32 to vector<16xi32>
      %add3A_420 = arith.addi %iota3A, %add3A_419 : vector<16xi32>
      %get3A_421 = arith.constant 192 : index
      %get3A_422 = tpu.vector_load %arg5[%get3A_421] {strides = array<i32>} : memref<256xi32, #tpu.memory_space<vmem>>, vector<16xi32>,
      %sub3A_423 = vector.broadcast %mul3A_34 : i32 to vector<16xi32>
      %sub3A_424 = arith.subi %get3A_422, %sub3A_423 : vector<16xi32>
      %ge3A_425 = arith.constant 0 : i32
      %ge3A_426 = vector.broadcast %ge3A_425 : i32 to vector<16xi32>
      %ge3A_427 = arith.cmpi sge, %sub3A_424, %ge3A_426 : vector<16xi32>
      %lt3A_428 = vector.broadcast %add3A_38 : i32 to vector<16xi32>
      %lt3A_429 = arith.cmpi slt, %sub3A_424, %lt3A_428 : vector<16xi32>
      %and3A_430 = arith.andi %ge3A_427, %lt3A_429 : vector<16xi1>
      tpu.vector_store_idx %arg6[%sub3A_424, %add3A_420], %broadcast_in_dim3A_39 masked %and3A_430 : memref<504x256xf32, #tpu.memory_space<vmem>>[vector<16xi32>, vector<16xi32>], vector<16xf32>, vector<16xi1>
      %add3A_431 = arith.constant 208 : i32
      %add3A_432 = vector.broadcast %add3A_431 : i32 to vector<16xi32>
      %add3A_433 = arith.addi %iota3A, %add3A_432 : vector<16xi32>
      %get3A_434 = arith.constant 208 : index
      %get3A_435 = tpu.vector_load %arg5[%get3A_434] {strides = array<i32>} : memref<256xi32, #tpu.memory_space<vmem>>, vector<16xi32>,
      %sub3A_436 = vector.broadcast %mul3A_34 : i32 to vector<16xi32>
      %sub3A_437 = arith.subi %get3A_435, %sub3A_436 : vector<16xi32>
      %ge3A_438 = arith.constant 0 : i32
      %ge3A_439 = vector.broadcast %ge3A_438 : i32 to vector<16xi32>
      %ge3A_440 = arith.cmpi sge, %sub3A_437, %ge3A_439 : vector<16xi32>
      %lt3A_441 = vector.broadcast %add3A_38 : i32 to vector<16xi32>
      %lt3A_442 = arith.cmpi slt, %sub3A_437, %lt3A_441 : vector<16xi32>
      %and3A_443 = arith.andi %ge3A_440, %lt3A_442 : vector<16xi1>
      tpu.vector_store_idx %arg6[%sub3A_437, %add3A_433], %broadcast_in_dim3A_39 masked %and3A_443 : memref<504x256xf32, #tpu.memory_space<vmem>>[vector<16xi32>, vector<16xi32>], vector<16xf32>, vector<16xi1>
      %add3A_444 = arith.constant 224 : i32
      %add3A_445 = vector.broadcast %add3A_444 : i32 to vector<16xi32>
      %add3A_446 = arith.addi %iota3A, %add3A_445 : vector<16xi32>
      %get3A_447 = arith.constant 224 : index
      %get3A_448 = tpu.vector_load %arg5[%get3A_447] {strides = array<i32>} : memref<256xi32, #tpu.memory_space<vmem>>, vector<16xi32>,
      %sub3A_449 = vector.broadcast %mul3A_34 : i32 to vector<16xi32>
      %sub3A_450 = arith.subi %get3A_448, %sub3A_449 : vector<16xi32>
      %ge3A_451 = arith.constant 0 : i32
      %ge3A_452 = vector.broadcast %ge3A_451 : i32 to vector<16xi32>
      %ge3A_453 = arith.cmpi sge, %sub3A_450, %ge3A_452 : vector<16xi32>
      %lt3A_454 = vector.broadcast %add3A_38 : i32 to vector<16xi32>
      %lt3A_455 = arith.cmpi slt, %sub3A_450, %lt3A_454 : vector<16xi32>
      %and3A_456 = arith.andi %ge3A_453, %lt3A_455 : vector<16xi1>
      tpu.vector_store_idx %arg6[%sub3A_450, %add3A_446], %broadcast_in_dim3A_39 masked %and3A_456 : memref<504x256xf32, #tpu.memory_space<vmem>>[vector<16xi32>, vector<16xi32>], vector<16xf32>, vector<16xi1>
      %add3A_457 = arith.constant 240 : i32
      %add3A_458 = vector.broadcast %add3A_457 : i32 to vector<16xi32>
      %add3A_459 = arith.addi %iota3A, %add3A_458 : vector<16xi32>
      %get3A_460 = arith.constant 240 : index
      %get3A_461 = tpu.vector_load %arg5[%get3A_460] {strides = array<i32>} : memref<256xi32, #tpu.memory_space<vmem>>, vector<16xi32>,
      %sub3A_462 = vector.broadcast %mul3A_34 : i32 to vector<16xi32>
      %sub3A_463 = arith.subi %get3A_461, %sub3A_462 : vector<16xi32>
      %ge3A_464 = arith.constant 0 : i32
      %ge3A_465 = vector.broadcast %ge3A_464 : i32 to vector<16xi32>
      %ge3A_466 = arith.cmpi sge, %sub3A_463, %ge3A_465 : vector<16xi32>
      %lt3A_467 = vector.broadcast %add3A_38 : i32 to vector<16xi32>
      %lt3A_468 = arith.cmpi slt, %sub3A_463, %lt3A_467 : vector<16xi32>
      %and3A_469 = arith.andi %ge3A_466, %lt3A_468 : vector<16xi1>
      tpu.vector_store_idx %arg6[%sub3A_463, %add3A_459], %broadcast_in_dim3A_39 masked %and3A_469 : memref<504x256xf32, #tpu.memory_space<vmem>>[vector<16xi32>, vector<16xi32>], vector<16xf32>, vector<16xi1>
    }
    %scan3A_46 = arith.constant 26 : i32
    return
  }
}

</mosaic_0001>

<sc_bundles>
// kernel: kernel.3.cloned.1.call-start
scs
__scs_entry_jumppad:
0x0: {  	(pc) =	sbr.rel $0x88, $3  }
0x1: {  	(tag) =	ssettag $0x0;
	lr =	simm.s32 $0x1  }
0x2: {  	[smem:$0x3FA0] =	sst lr;
	_ =	strace $0xD0000000  }
0x3: {  	_ = 	snop  }
0x4: {  	_ = 	snop  }
0x5: {  	_ = 	snop  }
0x6: {  	_ = 	snop  }
0x7: {  	_ = 	snop  }
__scs_overlays_trampoline_lowered:
0x8: {  	[smem:$0x3FAF] =	sst s0  }
0x9: {  	[smem:$0x3FB0] =	sst s1  }
0xa: {  	[smem:$0x3FB1] =	sst s2  }
0xb: {  	[smem:$0x3FB2] =	sst s3  }
0xc: {  	[smem:$0x3FB3] =	sst s4  }
0xd: {  	[smem:$0x3FB4] =	sst s5  }
0xe: {  	[smem:$0x3FB5] =	sst s6  }
0xf: {  	[smem:$0x3FB6] =	sst s7  }
0x10: {  	[smem:$0x3FB7] =	sst s8  }
0x11: {  	[smem:$0x3FB8] =	sst s9;
	s0 =	simm.s32 @!p0 $0x0  }
0x12: {  	s1 =	sld [smem:$0x3F9E];
	s0 =	simm.s32 @p0 $0x1  }
0x13: {  	[smem:$0x3FB9] =	sst s0;
	s0 =	simm.s32 @!p1 $0x0  }
0x14: {  	s2 =	sld [smem:$0x3F9D];
	s0 =	simm.s32 @p1 $0x1  }
0x15: {  	[smem:$0x3FBA] =	sst s0;
	s0 =	simm.s32 @!p2 $0x0  }
0x16: {  	s3 =	sld [smem:$0x3FDB];
	s0 =	simm.s32 @p2 $0x1  }
0x17: {  	s4 =	simm.s32 $0x1BF5;
	[smem:$0x3FBC] =	sst s0  }
0x18: {  	s0 =	sld [smem:$0x3F9F];
	_ =	swait.ge [sflag:s4], $0x0  }
0x19: {  	s7 =	sld [smem:$0x3FA0]  }
0x1a: {  	s8 =	sadd.s32 $0xFFFFE003, lr  }
0x1b: {  	s9 =	sadd.s32 $0xFFFFFEF7, lr;
	s5 =	simm.s32 $0xFFFFFFFF;
	p2 =	slt.u32 s8, $0xFFFFF086  }
0x1c: {  	p1 =	slt.u32 s9, $0xF7A;
	s5 =	simm.s32 @!p2 $0x0  }
0x1d: {  	s5 =	simm.s32 @p1 $0x1;
	p0 =	seq.s32 s7, s2  }
0x1e: {  	s7 =	smul.u32 @!p0 $0xF7A, s2;
	p2 =	seq.s32 @!p0 s5, $0x0  }
0x1f: {  	s9 =	smul.u32 $0xF7A, s1;
	s8 =	simm.s32 @!p0 $0x1BF5;
	p2 =	por !p2, p0  }
0x20: {  	[sflag:s8] =	ssyncset.s32 @!p0 $0xFFFFF086;
	s6 =	sadd.s32 @!p0 s3, s7;
	s7 =	simm.s32 @!p0 $0x108  }
0x21: {  	s3 =	sadd.s32 s3, s9;
	s6 =	sadd.s32 @!p0 $0x88, s6;
	s7 =	simm.s32 @p2 $0x1082  }
0x22: {  	[simem:s7], [sflag:s8] =	dma.local @!p0 [hbm:s6], $0xF7A  }
0x23: {  	s9 =	sor.u32 $0xD0000000, s2;
	s6 =	simm.s32 $0x108;
	_ =	swait.ge @!p0 [sflag:s8], $0x0  }
0x24: {  	s3 =	sadd.s32 $0x88, s3;
	s6 =	simm.s32 @!p1 $0x1082;
	[sflag:s4] =	ssyncset.s32 $0xFFFFF086  }
0x25: {  	[simem:s6], [sflag:s4] =	dma.local [hbm:s3], $0xF7A  }
0x26: {  	[smem:$0x3FA0] =	sst s1;
	(tag) =	ssettag s2;
	_ =	strace s9  }
0x27: {  	s1 =	sld [smem:$0x3FB0]  }
0x28: {  	s2 =	sld [smem:$0x3FB1]  }
0x29: {  	s4 =	sld [smem:$0x3FB3]  }
0x2a: {  	p0 =	seq.s32 s5, $0x0;
	s5 =	sld [smem:$0x3FB4]  }
0x2b: {  	s6 =	sld [smem:$0x3FB5]  }
0x2c: {  	s7 =	sld [smem:$0x3FB6]  }
0x2d: {  	s3 =	simm.s32 $0x108;
	s8 =	sld [smem:$0x3FB7]  }
0x2e: {  	s3 =	simm.s32 @!p0 $0x1082;
	s9 =	sld [smem:$0x3FB8]  }
0x2f: {  	lr =	sadd.s32 s0, s3;
	s0 =	sld [smem:$0x3FAF]  }
0x30: {  	s3 =	sld [smem:$0x3FB2]  }
0x31: {  	[smem:$0x3FBB] =	sst s10  }
0x32: {  	s10 =	sld [smem:$0x3FB9];
	_ =	sdelay $0x3  }
0x33: {  	p0 =	seq.s32 s10, $0x1;
	s10 =	sld [smem:$0x3FBB];
	_ =	sdelay $0x3  }
0x34: {  	[smem:$0x3FBB] =	sst s10  }
0x35: {  	s10 =	sld [smem:$0x3FBA];
	_ =	sdelay $0x3  }
0x36: {  	p1 =	seq.s32 s10, $0x1;
	s10 =	sld [smem:$0x3FBB];
	_ =	sdelay $0x3  }
0x37: {  	[smem:$0x3FBB] =	sst s10  }
0x38: {  	s10 =	sld [smem:$0x3FBC]  }
0x39: {  	_ = 	snop;
	(pc) =	sbr.ind lr, $3  }
0x3a: {  	_ = 	snop  }
0x3b: {  	_ = 	snop  }
0x3c: {  	p2 =	seq.s32 s10, $0x1;
	s10 =	sld [smem:$0x3FBB]  }
0x3d: {  	_ =	shalt  }
0x3e: {  	_ =	shalt  }
0x3f: {  	_ =	shalt  }
0x40: {  	_ =	shalt  }
0x41: {  	_ =	shalt  }
0x42: {  	_ =	shalt  }
0x43: {  	_ =	shalt  }
0x44: {  	_ =	shalt  }
0x45: {  	_ =	shalt  }
0x46: {  	_ =	shalt  }
0x47: {  	_ =	shalt  }
0x48: {  	_ =	shalt  }
0x49: {  	_ =	shalt  }
0x4a: {  	_ =	shalt  }
0x4b: {  	_ =	shalt  }
0x4c: {  	_ =	shalt  }
0x4d: {  	_ =	shalt  }
0x4e: {  	_ =	shalt  }
0x4f: {  	_ =	shalt  }
0x50: {  	_ =	shalt  }
0x51: {  	_ =	shalt  }
0x52: {  	_ =	shalt  }
0x53: {  	_ =	shalt  }
0x54: {  	_ =	shalt  }
0x55: {  	_ =	shalt  }
0x56: {  	_ =	shalt  }
0x57: {  	_ =	shalt  }
0x58: {  	_ =	shalt  }
0x59: {  	_ =	shalt  }
0x5a: {  	_ =	shalt  }
0x5b: {  	_ =	shalt  }
0x5c: {  	_ =	shalt  }
0x5d: {  	_ =	shalt  }
0x5e: {  	_ =	shalt  }
0x5f: {  	_ =	shalt  }
0x60: {  	_ =	shalt  }
0x61: {  	_ =	shalt  }
0x62: {  	_ =	shalt  }
0x63: {  	_ =	shalt  }
0x64: {  	_ =	shalt  }
0x65: {  	_ =	shalt  }
0x66: {  	_ =	shalt  }
0x67: {  	_ =	shalt  }
0x68: {  	_ =	shalt  }
0x69: {  	_ =	shalt  }
0x6a: {  	_ =	shalt  }
0x6b: {  	_ =	shalt  }
0x6c: {  	_ =	shalt  }
0x6d: {  	_ =	shalt  }
0x6e: {  	_ =	shalt  }
0x6f: {  	_ =	shalt  }
0x70: {  	_ =	shalt  }
0x71: {  	_ =	shalt  }
0x72: {  	_ =	shalt  }
0x73: {  	_ =	shalt  }
0x74: {  	_ =	shalt  }
0x75: {  	_ =	shalt  }
0x76: {  	_ =	shalt  }
0x77: {  	_ =	shalt  }
0x78: {  	_ =	shalt  }
0x79: {  	_ =	shalt  }
0x7a: {  	_ =	shalt  }
0x7b: {  	_ =	shalt  }
0x7c: {  	_ =	shalt  }
0x7d: {  	_ =	shalt  }
0x7e: {  	_ =	shalt  }
0x7f: {  	_ =	shalt  }
0x80: {  	_ =	shalt  }
0x81: {  	_ =	shalt  }
0x82: {  	_ =	shalt  }
0x83: {  	_ =	shalt  }
0x84: {  	_ =	shalt  }
0x85: {  	_ =	shalt  }
0x86: {  	_ =	shalt  }
0x87: {  	_ =	shalt  }
.Lfunc_end0:
.L_simem_size_0:
called_computation_lowered:
.L_overlay_start_0:
0x88: {  	s2 =	sld [smem:$0x3FD9]  }
0x89: {  	s3 =	sld [smem:$0x3FFE];
	_ =	sdelay $0x1  }
0x8a: {  	s1 =	srdreg.scid  }
0x8b: {  	s0 =	sand.u32 $0x1, s1  }
0x8c: {  	s17 =	sshll.u32 s0, $0xA;
	s2 =	sadd.s32 s3, s2  }
0x8d: {  	s2 =	sadd.s32 s2, s17  }
0x8e: {  	[smem:$0x3FC7] =	sst s2  }
0x8f: {  	_ = 	snop  }
0x90: {  	s2 =	sld [smem:$0x3FC9]  }
0x91: {  	s18 =	sld [smem:$0x3FD0];
	(tm) =	ssettm $0x1  }
0x92: {  	s4 =	sld [smem:$0x3FFB];
	_ =	sdelay $0x3  }
0x93: {  	_ =	strace s4  }
0x94: {  	s4 =	sld [smem:$0x3FFC];
	_ =	sdelay $0x3  }
0x95: {  	_ =	strace s4  }
0x96: {  	s4 =	sld [smem:$0x3FFD];
	_ =	sdelay $0x3  }
0x97: {  	_ =	strace s4  }
0x98: {  	_ =	strace $0x8FFFFFFF  }
0x99: {  	s19 =	sld [smem:$0x3FDB];
	_ =	sdelay $0x1  }
0x9a: {  	s5 =	simm.s32 $_scs_section_size  }
0x9b: {  	s6 =	simm.s32 $_size__tile_overlayer_lowered;
	s7 =	simm.s32 $_tile_overlayer_lowered  }
0x9c: {  	s22 =	simm.s32 $0x1BFF;
	s21 =	sshll.u32 s7, $0x1;
	s4 =	sadd.s32 s5, s19  }
0x9d: {  	s8 =	simm.s32 $0x0;
	s20 =	sshll.u32 s6, $0x1;
	s6 =	sadd.s32 s21, s4  }
0x9e: {  	[timem:s8], [sflag:s22] =	dma.local [hbm:s6], s20  }
0x9f: {  	_ =	swait.ge [sflag:s22], s20  }
0xa0: {  	s5 =	ssub.s32 $0x0, s20;
	[sflag:s22] =	ssyncset.done $0x0  }
0xa1: {  	[sflag:s22] =	ssyncadd.s32 s5;
	_ =	sdelay $0x1  }
0xa2: {  	s23 =	simm.s32 $0x1B8B  }
0xa3: {  	_ =	swait.ge [sflag:s23], $0x1  }
0xa4: {  	[sflag:s23] =	ssyncset.done $0x0  }
0xa5: {  	s25 =	simm.s32 $0x1B8E;
	s24 =	sld [smem:$0x3FFE];
	[sflag:s23] =	ssyncadd.s32 $0xFFFFFFFF  }
0xa6: {  	s26 =	simm.s32 $execute0_lowered;
	[smem:$0x3FD2] =	sst s25  }
0xa7: {  	s6 =	sshll.u32 s26, $0x1;
	_ =	strace $0x80000046;
	[dreg:$0x1] =	wrdreg $0xFFFFFFFF  }
0xa8: {  	s28 =	simm.s32 $_size_execute0_lowered;
	s4 =	sadd.s32 s4, s6;
	[dreg:$0x0] =	wrdreg $0x0  }
0xa9: {  	s6 =	sshll.u32 s28, $0x1;
	[dreg:$0x2] =	wrdreg s4  }
0xaa: {  	[dreg:$0x3] =	wrdreg s6  }
0xab: {  	[dreg:$0x4] =	wrdreg $0xC0  }
0xac: {  	_ =	task [dreg:s8], $0x5FFFF  }
0xad: {  	[dreg:$0x1] =	wrdreg $0xFFFFFFFF  }
0xae: {  	[dreg:$0x0] =	wrdreg $0x60  }
0xaf: {  	[dreg:$0x2] =	wrdreg s2  }
0xb0: {  	[dreg:$0x3] =	wrdreg s24  }
0xb1: {  	[dreg:$0x4] =	wrdreg s18  }
0xb2: {  	[dreg:$0x5] =	wrdreg $0x9  }
0xb3: {  	_ =	task.clear_ibuf [dreg:s8], $0x6FFFF;
	_ =	strace $0x90000046  }
0xb4: {  	s29 =	simm.s32 $0x9;
	_ =	strace $0x80000048  }
0xb5: {  	_ =	swait.ge [sflag:s29], $0x1  }
0xb6: {  	[sflag:s29] =	ssyncadd.s32 $0xFFFFFFFF  }
0xb7: {  	_ =	strace $0x90000048  }
0xb8: {  	_ =	sfence  }
0xb9: {  	s30 =	sld [smem:$0x0];
	_ =	sdelay $0x2  }
0xba: {  	s31 =	sshll.u32 s1, $0xD;
	s1 =	sshrl.u32 s1, $0x2  }
0xbb: {  	s3 =	sand.u32 $0x4000, s31;
	s1 =	sadd.s32 s1, s30  }
0xbc: {  	s0 =	sor.u32 s3, s0;
	s1 =	sshll.u32 s1, $0x11  }
0xbd: {  	s0 =	sor.u32 s1, s0  }
0xbe: {  	s0 =	sadd.s32 $0x8F2B, s0  }
0xbf: {  	[sflag:s0] =	ssyncadd.remote.s32 $0x1  }
0xc0: {  	_ =	sfence.sel $0xFFFF  }
0xc1: {  	[dreg:$0x0] =	wrdreg $0xFFFFFFFF;
	(pc) =	sbr.abs _section_cstart, $3  }
0xc2: {  	[dreg:$0x1] =	wrdreg $0xFFFFFFFF  }
0xc3: {  	_ =	task.clear_ibuf [dreg:s8], $0x2FFFF;
	_ =	strace $0x9FFFFFFF  }
0xc4: {  	(tm) =	ssettm $0x7FFFFFFF  }
0xc5: {  	_ =	shalt  }
tec
execute0_lowered:
.L_overlay_start_1:
0x0: {  	(tag) =	ssettag $0x1  }
0x1: {  	s1 =	rddreg [dreg:$0x0]  }
0x2: {  	s4 =	rddreg [dreg:$0x1]  }
0x3: {  	s8 =	rddreg [dreg:$0x2]  }
0x4: {  	s0 =	rddreg [dreg:$0x3];
	s3 =	simm.s32 $0x0  }
0x5: {  	s2 =	stileid.u32;
	s5 =	srdreg.scid;
	s12 =	simm.s32 $0x400  }
0x6: {  	s13 =	simm.s32 $0x0;
	[smem:$0x7FF] =	sst s3;
	s6 =	sshrl.u32 s2, $0x3  }
0x7: {  	s4 =	sadd.s32 $0x400, s4;
	s5 =	sand.u32 $0x1, s5;
	s9 =	sand.u32 $0x8, s2  }
0x8: {  	v1 =	vlaneseq.u32;
	v3 =	vimm.f32 $1.000000000e+00;
	s11 =	sshll.u32 s2, $0xC;
	_ =	strace $0x80000047;
	s7 =	smul.u32 $0x1F0, s6  }
0x9: {  	v19 =	vimm.f32 $0.0e+00;
	v4 =	vor.u32 $0x10, v1;
	v5 =	vor.u32 $0x20, v1;
	s10 =	ssub.s32 $0x2, s5;
	s9 =	sor.u32 $0x1F0, s9;
	s5 =	sshll.u32 s5, $0xB  }
0xa: {  	v6 =	vor.u32 $0x30, v1;
	v7 =	vor.u32 $0x40, v1;
	v8 =	vor.u32 $0x50, v1;
	s11 =	sand.u32 $0x7000, s11;
	s6 =	sand.u32 $0x1, s6;
	s28 =	sshrl.u32 s10, $0x1  }
0xb: {  	v9 =	vor.u32 $0x60, v1;
	v10 =	vor.u32 $0x70, v1;
	v2 =	vmov s9;
	s5 =	sor.u32 s5, s11;
	p0 =	seq.s32 s6, $0x1;
	s9 =	simm.s32 $0x100  }
0xc: {  	v11 =	vor.u32 $0x400, v1;
	v12 =	vor.u32 $0x410, v1;
	s11 =	simm.s32 $0x80;
	v0 =	vmov s7;
	s7 =	ssub.s32 s10, s28;
	s30 =	sor.u32 $0x1F0000, s5  }
0xd: {  	v13 =	vor.u32 $0x420, v1;
	v14 =	vor.u32 $0x430, v1;
	v15 =	vor.u32 $0x440, v1;
	s29 =	sshrl.u32 s5, $0x3;
	s10 =	simm.s32 $0x2;
	s31 =	sshrl.u32 s30, $0x3  }
0xe: {  	v16 =	vor.u32 $0x450, v1;
	v17 =	vor.u32 $0x460, v1;
	v18 =	vor.u32 $0x470, v1;
	s6 =	smax.u32 s7, $0x1;
	s7 =	sadd.s32 s29, s8;
	s8 =	sadd.s32 s31, s8  }
.LBB2_1:
0xf: {  	[tilespmem:s9], [sflag:$0x2] =	stream.linear.gather [hbm4b:s4+s3], $0x1F800, $0x38;
	[tilespmem:$0x1F900] =	vst v63  }
0x10: {  	_ =	swait.ge [sflag:s10], $0x1F800  }
0x11: {  	s14 =	simm.s32 $0x0;
	s15 =	simm.s32 $0x0;
	[sflag:s10] =	ssyncset.done $0x0  }
0x12: {  	s16 =	smov.u32 s8;
	s17 =	smov.u32 s7;
	[sflag:s10] =	ssyncadd.s32 $0xFFFE0800  }
.LBB2_2:
0x13: {  	s18 =	sand.u32 $0x18000, s14;
	s19 =	sand.u32 $0x380, s15  }
0x14: {  	s18 =	sor.u32 s18, s19  }
0x15: {  	s18 =	sor.u32 s5, s18  }
0x16: {  	s18 =	sshrl.u32 s18, $0x3  }
0x17: {  	s18 =	sadd.s32 s1, s18  }
0x18: {  	[tilespmem:s3], [sflag:$0x2] =	stream.strided.gather [hbm4b:s18+s11], $0x100, s12, s11, $0x38;
	[tilespmem:$0x1F900] =	vst v63  }
0x19: {  	_ =	swait.ge [sflag:s10], $0x100  }
0x1a: {  	[sflag:s10] =	ssyncset.done $0x0  }
0x1b: {  	[sflag:s10] =	ssyncadd.s32 $0xFFFFFF00  }
0x1c: {  	v20 =	vld [tilespmem:$0x0];
	_ =	sdelay $0x4  }
0x1d: {  	v21 =	vsub.s32 v20, v0  }
0x1e: {  	v20 =	vshll.u32 v20, $0x7;
	vm0 =	vgt.s32 v21, $0xFFFFFFFF;
	v22 =	vshll.u32 v21, $0x8  }
0x1f: {  	vm1 =	vlt.s32 v21, v2;
	v20 =	vand.u32 $0x380, v20;
	v50 =	vand.u32 $0xFFFFF800, v22  }
0x20: {  	vm0 =	vmand vm0, vm1;
	v20 =	vor.u32 v50, v20  }
0x21: {  	v20 =	vor.u32 v1, v20;
	_ =	sdelay $0x4  }
0x22: {  	[tilespmem:v20+s9+$0x0] =	vst.idx.msk vm0, v3  }
0x23: {  	v20 =	vld [tilespmem:$0x10];
	_ =	sdelay $0x4  }
0x24: {  	v51 =	vsub.s32 v20, v0  }
0x25: {  	v20 =	vshll.u32 v20, $0x7;
	vm14 =	vgt.s32 v51, $0xFFFFFFFF;
	v52 =	vshll.u32 v51, $0x8  }
0x26: {  	vm15 =	vlt.s32 v51, v2;
	v20 =	vand.u32 $0x380, v20;
	v53 =	vand.u32 $0xFFFFF800, v52  }
0x27: {  	vm0 =	vmand vm14, vm15;
	v20 =	vor.u32 v53, v20  }
0x28: {  	v20 =	vor.u32 v4, v20;
	_ =	sdelay $0x4  }
0x29: {  	[tilespmem:v20+s9+$0x0] =	vst.idx.msk vm0, v3  }
0x2a: {  	v20 =	vld [tilespmem:$0x20];
	_ =	sdelay $0x4  }
0x2b: {  	v54 =	vsub.s32 v20, v0  }
0x2c: {  	v20 =	vshll.u32 v20, $0x7;
	vm4 =	vgt.s32 v54, $0xFFFFFFFF;
	v55 =	vshll.u32 v54, $0x8  }
0x2d: {  	vm5 =	vlt.s32 v54, v2;
	v20 =	vand.u32 $0x380, v20;
	v56 =	vand.u32 $0xFFFFF800, v55  }
0x2e: {  	vm0 =	vmand vm4, vm5;
	v20 =	vor.u32 v56, v20  }
0x2f: {  	v20 =	vor.u32 v5, v20;
	_ =	sdelay $0x4  }
0x30: {  	[tilespmem:v20+s9+$0x0] =	vst.idx.msk vm0, v3  }
0x31: {  	v20 =	vld [tilespmem:$0x30];
	_ =	sdelay $0x4  }
0x32: {  	v57 =	vsub.s32 v20, v0  }
0x33: {  	v20 =	vshll.u32 v20, $0x7;
	vm6 =	vgt.s32 v57, $0xFFFFFFFF;
	v58 =	vshll.u32 v57, $0x8  }
0x34: {  	vm7 =	vlt.s32 v57, v2;
	v20 =	vand.u32 $0x380, v20;
	v59 =	vand.u32 $0xFFFFF800, v58  }
0x35: {  	vm0 =	vmand vm6, vm7;
	v20 =	vor.u32 v59, v20  }
0x36: {  	v20 =	vor.u32 v6, v20;
	_ =	sdelay $0x4  }
0x37: {  	[tilespmem:v20+s9+$0x0] =	vst.idx.msk vm0, v3  }
0x38: {  	v20 =	vld [tilespmem:$0x40];
	_ =	sdelay $0x4  }
0x39: {  	v60 =	vsub.s32 v20, v0  }
0x3a: {  	v20 =	vshll.u32 v20, $0x7;
	vm8 =	vgt.s32 v60, $0xFFFFFFFF;
	v61 =	vshll.u32 v60, $0x8  }
0x3b: {  	vm9 =	vlt.s32 v60, v2;
	v20 =	vand.u32 $0x380, v20;
	v62 =	vand.u32 $0xFFFFF800, v61  }
0x3c: {  	vm0 =	vmand vm8, vm9;
	v20 =	vor.u32 v62, v20  }
0x3d: {  	v20 =	vor.u32 v7, v20;
	_ =	sdelay $0x4  }
0x3e: {  	[tilespmem:v20+s9+$0x0] =	vst.idx.msk vm0, v3  }
0x3f: {  	v20 =	vld [tilespmem:$0x50];
	_ =	sdelay $0x4  }
0x40: {  	v63 =	vsub.s32 v20, v0  }
0x41: {  	v20 =	vshll.u32 v20, $0x7;
	vm10 =	vgt.s32 v63, $0xFFFFFFFF;
	v24 =	vshll.u32 v63, $0x8  }
0x42: {  	vm11 =	vlt.s32 v63, v2;
	v20 =	vand.u32 $0x380, v20;
	v25 =	vand.u32 $0xFFFFF800, v24  }
0x43: {  	vm0 =	vmand vm10, vm11;
	v20 =	vor.u32 v25, v20  }
0x44: {  	v20 =	vor.u32 v8, v20;
	_ =	sdelay $0x4  }
0x45: {  	[tilespmem:v20+s9+$0x0] =	vst.idx.msk vm0, v3  }
0x46: {  	v20 =	vld [tilespmem:$0x60];
	_ =	sdelay $0x4  }
0x47: {  	v26 =	vsub.s32 v20, v0  }
0x48: {  	v20 =	vshll.u32 v20, $0x7;
	vm12 =	vgt.s32 v26, $0xFFFFFFFF;
	v27 =	vshll.u32 v26, $0x8  }
0x49: {  	vm13 =	vlt.s32 v26, v2;
	v20 =	vand.u32 $0x380, v20;
	v28 =	vand.u32 $0xFFFFF800, v27  }
0x4a: {  	vm0 =	vmand vm12, vm13;
	v20 =	vor.u32 v28, v20  }
0x4b: {  	v20 =	vor.u32 v9, v20;
	_ =	sdelay $0x4  }
0x4c: {  	[tilespmem:v20+s9+$0x0] =	vst.idx.msk vm0, v3  }
0x4d: {  	v20 =	vld [tilespmem:$0x70];
	_ =	sdelay $0x4  }
0x4e: {  	v29 =	vsub.s32 v20, v0  }
0x4f: {  	v20 =	vshll.u32 v20, $0x7;
	vm14 =	vgt.s32 v29, $0xFFFFFFFF;
	v30 =	vshll.u32 v29, $0x8  }
0x50: {  	vm15 =	vlt.s32 v29, v2;
	v20 =	vand.u32 $0x380, v20;
	v31 =	vand.u32 $0xFFFFF800, v30  }
0x51: {  	vm0 =	vmand vm14, vm15;
	v20 =	vor.u32 v31, v20  }
0x52: {  	v20 =	vor.u32 v10, v20;
	_ =	sdelay $0x4  }
0x53: {  	[tilespmem:v20+s9+$0x0] =	vst.idx.msk vm0, v3  }
0x54: {  	v20 =	vld [tilespmem:$0x80];
	_ =	sdelay $0x4  }
0x55: {  	v32 =	vsub.s32 v20, v0  }
0x56: {  	v20 =	vshll.u32 v20, $0x7;
	vm4 =	vgt.s32 v32, $0xFFFFFFFF;
	v33 =	vshll.u32 v32, $0x8  }
0x57: {  	vm5 =	vlt.s32 v32, v2;
	v20 =	vand.u32 $0x380, v20;
	v34 =	vand.u32 $0xFFFFF800, v33  }
0x58: {  	vm0 =	vmand vm4, vm5;
	v20 =	vor.u32 v34, v20  }
0x59: {  	v20 =	vor.u32 v11, v20;
	_ =	sdelay $0x4  }
0x5a: {  	[tilespmem:v20+s9+$0x0] =	vst.idx.msk vm0, v3  }
0x5b: {  	v20 =	vld [tilespmem:$0x90];
	_ =	sdelay $0x4  }
0x5c: {  	v35 =	vsub.s32 v20, v0  }
0x5d: {  	v20 =	vshll.u32 v20, $0x7;
	vm6 =	vgt.s32 v35, $0xFFFFFFFF;
	v36 =	vshll.u32 v35, $0x8  }
0x5e: {  	vm7 =	vlt.s32 v35, v2;
	v20 =	vand.u32 $0x380, v20;
	v37 =	vand.u32 $0xFFFFF800, v36  }
0x5f: {  	vm0 =	vmand vm6, vm7;
	v20 =	vor.u32 v37, v20  }
0x60: {  	v20 =	vor.u32 v12, v20;
	_ =	sdelay $0x4  }
0x61: {  	[tilespmem:v20+s9+$0x0] =	vst.idx.msk vm0, v3  }
0x62: {  	v20 =	vld [tilespmem:$0xA0];
	_ =	sdelay $0x4  }
0x63: {  	v38 =	vsub.s32 v20, v0  }
0x64: {  	v20 =	vshll.u32 v20, $0x7;
	vm8 =	vgt.s32 v38, $0xFFFFFFFF;
	v39 =	vshll.u32 v38, $0x8  }
0x65: {  	vm9 =	vlt.s32 v38, v2;
	v20 =	vand.u32 $0x380, v20;
	v40 =	vand.u32 $0xFFFFF800, v39  }
0x66: {  	vm0 =	vmand vm8, vm9;
	v20 =	vor.u32 v40, v20  }
0x67: {  	v20 =	vor.u32 v13, v20;
	_ =	sdelay $0x4  }
0x68: {  	[tilespmem:v20+s9+$0x0] =	vst.idx.msk vm0, v3  }
0x69: {  	v20 =	vld [tilespmem:$0xB0];
	_ =	sdelay $0x4  }
0x6a: {  	v41 =	vsub.s32 v20, v0  }
0x6b: {  	v20 =	vshll.u32 v20, $0x7;
	vm10 =	vgt.s32 v41, $0xFFFFFFFF;
	v42 =	vshll.u32 v41, $0x8  }
0x6c: {  	vm11 =	vlt.s32 v41, v2;
	v20 =	vand.u32 $0x380, v20;
	v43 =	vand.u32 $0xFFFFF800, v42  }
0x6d: {  	vm0 =	vmand vm10, vm11;
	v20 =	vor.u32 v43, v20  }
0x6e: {  	v20 =	vor.u32 v14, v20;
	_ =	sdelay $0x4  }
0x6f: {  	[tilespmem:v20+s9+$0x0] =	vst.idx.msk vm0, v3  }
0x70: {  	v20 =	vld [tilespmem:$0xC0];
	_ =	sdelay $0x4  }
0x71: {  	v44 =	vsub.s32 v20, v0  }
0x72: {  	v20 =	vshll.u32 v20, $0x7;
	vm12 =	vgt.s32 v44, $0xFFFFFFFF;
	v45 =	vshll.u32 v44, $0x8  }
0x73: {  	vm13 =	vlt.s32 v44, v2;
	v20 =	vand.u32 $0x380, v20;
	v46 =	vand.u32 $0xFFFFF800, v45  }
0x74: {  	vm0 =	vmand vm12, vm13;
	v20 =	vor.u32 v46, v20  }
0x75: {  	v20 =	vor.u32 v15, v20;
	_ =	sdelay $0x4  }
0x76: {  	[tilespmem:v20+s9+$0x0] =	vst.idx.msk vm0, v3  }
0x77: {  	v20 =	vld [tilespmem:$0xD0];
	_ =	sdelay $0x4  }
0x78: {  	v47 =	vsub.s32 v20, v0  }
0x79: {  	v20 =	vshll.u32 v20, $0x7;
	vm14 =	vgt.s32 v47, $0xFFFFFFFF;
	v48 =	vshll.u32 v47, $0x8  }
0x7a: {  	vm15 =	vlt.s32 v47, v2;
	v20 =	vand.u32 $0x380, v20;
	v49 =	vand.u32 $0xFFFFF800, v48  }
0x7b: {  	vm0 =	vmand vm14, vm15;
	v20 =	vor.u32 v49, v20  }
0x7c: {  	v20 =	vor.u32 v16, v20;
	_ =	sdelay $0x4  }
0x7d: {  	[tilespmem:v20+s9+$0x0] =	vst.idx.msk vm0, v3  }
0x7e: {  	v20 =	vld [tilespmem:$0xE0];
	_ =	sdelay $0x4  }
0x7f: {  	v50 =	vsub.s32 v20, v0  }
0x80: {  	v20 =	vshll.u32 v20, $0x7;
	vm4 =	vgt.s32 v50, $0xFFFFFFFF;
	v51 =	vshll.u32 v50, $0x8  }
0x81: {  	vm5 =	vlt.s32 v50, v2;
	v20 =	vand.u32 $0x380, v20;
	v52 =	vand.u32 $0xFFFFF800, v51  }
0x82: {  	vm0 =	vmand vm4, vm5;
	v20 =	vor.u32 v52, v20  }
0x83: {  	v20 =	vor.u32 v17, v20;
	_ =	sdelay $0x4  }
0x84: {  	[tilespmem:v20+s9+$0x0] =	vst.idx.msk vm0, v3  }
0x85: {  	v20 =	vld [tilespmem:$0xF0];
	_ =	sdelay $0x4  }
0x86: {  	v53 =	vsub.s32 v20, v0  }
0x87: {  	v20 =	vshll.u32 v20, $0x7;
	vm6 =	vgt.s32 v53, $0xFFFFFFFF;
	v54 =	vshll.u32 v53, $0x8  }
0x88: {  	vm7 =	vlt.s32 v53, v2;
	v20 =	vand.u32 $0x380, v20;
	v55 =	vand.u32 $0xFFFFF800, v54  }
0x89: {  	vm0 =	vmand vm6, vm7;
	v20 =	vor.u32 v55, v20  }
0x8a: {  	v20 =	vor.u32 v18, v20;
	_ =	sdelay $0x4  }
0x8b: {  	s20 =	simm.s32 @p0 $0x100;
	s19 =	simm.s32 @p0 $0x8000;
	s18 =	simm.s32 @p0 $0x800;
	[tilespmem:v20+s9+$0x0] =	vst.idx.msk vm0, v3  }
0x8c: {  	[hbm4b:s16+s18] =	stream.strided.scatter @p0 [tilespmem:s20], [sflag:$0x1], $0x1F800, s19, s18, $0x38;
	[tilespmem:$0x1F900] =	vst v63  }
0x8d: {  	s18 =	simm.s32 @p0 $0x1  }
0x8e: {  	_ =	swait.ge @p0 [sflag:s18], $0x1F800  }
0x8f: {  	s19 =	simm.s32 @!p0 $0x8000;
	[sflag:s18] =	ssyncset.done @p0 $0x0  }
0x90: {  	s20 =	simm.s32 @!p0 $0x100;
	[sflag:s18] =	ssyncadd.s32 @p0 $0xFFFE0800;
	s18 =	simm.s32 @!p0 $0x800  }
0x91: {  	[hbm4b:s17+s18] =	stream.strided.scatter @!p0 [tilespmem:s20], [sflag:$0x1], $0x1F000, s19, s18, $0x38;
	[tilespmem:$0x1F900] =	vst v63  }
0x92: {  	s18 =	simm.s32 @!p0 $0x1  }
0x93: {  	_ =	swait.ge @!p0 [sflag:s18], $0x1F000  }
0x94: {  	[sflag:s18] =	ssyncset.done @!p0 $0x0  }
0x95: {  	[sflag:s18] =	ssyncadd.s32 @!p0 $0xFFFE1000  }
0x96: {  	v20 =	vld [tilespmem:$0x0];
	_ =	sdelay $0x4  }
0x97: {  	v56 =	vsub.s32 v20, v0  }
0x98: {  	v20 =	vshll.u32 v20, $0x7;
	vm8 =	vgt.s32 v56, $0xFFFFFFFF;
	v57 =	vshll.u32 v56, $0x8  }
0x99: {  	vm9 =	vlt.s32 v56, v2;
	v20 =	vand.u32 $0x380, v20;
	v58 =	vand.u32 $0xFFFFF800, v57  }
0x9a: {  	vm0 =	vmand vm8, vm9;
	v20 =	vor.u32 v58, v20  }
0x9b: {  	v20 =	vor.u32 v1, v20;
	_ =	sdelay $0x4  }
0x9c: {  	[tilespmem:v20+s9+$0x0] =	vst.idx.msk vm0, v19  }
0x9d: {  	v20 =	vld [tilespmem:$0x10];
	_ =	sdelay $0x4  }
0x9e: {  	v59 =	vsub.s32 v20, v0  }
0x9f: {  	v20 =	vshll.u32 v20, $0x7;
	vm10 =	vgt.s32 v59, $0xFFFFFFFF;
	v60 =	vshll.u32 v59, $0x8  }
0xa0: {  	vm11 =	vlt.s32 v59, v2;
	v20 =	vand.u32 $0x380, v20;
	v61 =	vand.u32 $0xFFFFF800, v60  }
0xa1: {  	vm0 =	vmand vm10, vm11;
	v20 =	vor.u32 v61, v20  }
0xa2: {  	v20 =	vor.u32 v4, v20;
	_ =	sdelay $0x4  }
0xa3: {  	[tilespmem:v20+s9+$0x0] =	vst.idx.msk vm0, v19  }
0xa4: {  	v20 =	vld [tilespmem:$0x20];
	_ =	sdelay $0x4  }
0xa5: {  	v62 =	vsub.s32 v20, v0  }
0xa6: {  	v20 =	vshll.u32 v20, $0x7;
	vm12 =	vgt.s32 v62, $0xFFFFFFFF;
	v63 =	vshll.u32 v62, $0x8  }
0xa7: {  	vm13 =	vlt.s32 v62, v2;
	v20 =	vand.u32 $0x380, v20;
	v24 =	vand.u32 $0xFFFFF800, v63  }
0xa8: {  	vm0 =	vmand vm12, vm13;
	v20 =	vor.u32 v24, v20  }
0xa9: {  	v20 =	vor.u32 v5, v20;
	_ =	sdelay $0x4  }
0xaa: {  	[tilespmem:v20+s9+$0x0] =	vst.idx.msk vm0, v19  }
0xab: {  	v20 =	vld [tilespmem:$0x30];
	_ =	sdelay $0x4  }
0xac: {  	v25 =	vsub.s32 v20, v0  }
0xad: {  	v20 =	vshll.u32 v20, $0x7;
	vm14 =	vgt.s32 v25, $0xFFFFFFFF;
	v26 =	vshll.u32 v25, $0x8  }
0xae: {  	vm15 =	vlt.s32 v25, v2;
	v20 =	vand.u32 $0x380, v20;
	v27 =	vand.u32 $0xFFFFF800, v26  }
0xaf: {  	vm0 =	vmand vm14, vm15;
	v20 =	vor.u32 v27, v20  }
0xb0: {  	v20 =	vor.u32 v6, v20;
	_ =	sdelay $0x4  }
0xb1: {  	[tilespmem:v20+s9+$0x0] =	vst.idx.msk vm0, v19  }
0xb2: {  	v20 =	vld [tilespmem:$0x40];
	_ =	sdelay $0x4  }
0xb3: {  	v28 =	vsub.s32 v20, v0  }
0xb4: {  	v20 =	vshll.u32 v20, $0x7;
	vm4 =	vgt.s32 v28, $0xFFFFFFFF;
	v29 =	vshll.u32 v28, $0x8  }
0xb5: {  	vm5 =	vlt.s32 v28, v2;
	v20 =	vand.u32 $0x380, v20;
	v30 =	vand.u32 $0xFFFFF800, v29  }
0xb6: {  	vm0 =	vmand vm4, vm5;
	v20 =	vor.u32 v30, v20  }
0xb7: {  	v20 =	vor.u32 v7, v20;
	_ =	sdelay $0x4  }
0xb8: {  	[tilespmem:v20+s9+$0x0] =	vst.idx.msk vm0, v19  }
0xb9: {  	v20 =	vld [tilespmem:$0x50];
	_ =	sdelay $0x4  }
0xba: {  	v31 =	vsub.s32 v20, v0  }
0xbb: {  	v20 =	vshll.u32 v20, $0x7;
	vm6 =	vgt.s32 v31, $0xFFFFFFFF;
	v32 =	vshll.u32 v31, $0x8  }
0xbc: {  	vm7 =	vlt.s32 v31, v2;
	v20 =	vand.u32 $0x380, v20;
	v33 =	vand.u32 $0xFFFFF800, v32  }
0xbd: {  	vm0 =	vmand vm6, vm7;
	v20 =	vor.u32 v33, v20  }
0xbe: {  	v20 =	vor.u32 v8, v20;
	_ =	sdelay $0x4  }
0xbf: {  	[tilespmem:v20+s9+$0x0] =	vst.idx.msk vm0, v19  }
0xc0: {  	v20 =	vld [tilespmem:$0x60];
	_ =	sdelay $0x4  }
0xc1: {  	v34 =	vsub.s32 v20, v0  }
0xc2: {  	v20 =	vshll.u32 v20, $0x7;
	vm8 =	vgt.s32 v34, $0xFFFFFFFF;
	v35 =	vshll.u32 v34, $0x8  }
0xc3: {  	vm9 =	vlt.s32 v34, v2;
	v20 =	vand.u32 $0x380, v20;
	v36 =	vand.u32 $0xFFFFF800, v35  }
0xc4: {  	vm0 =	vmand vm8, vm9;
	v20 =	vor.u32 v36, v20  }
0xc5: {  	v20 =	vor.u32 v9, v20;
	_ =	sdelay $0x4  }
0xc6: {  	[tilespmem:v20+s9+$0x0] =	vst.idx.msk vm0, v19  }
0xc7: {  	v20 =	vld [tilespmem:$0x70];
	_ =	sdelay $0x4  }
0xc8: {  	v37 =	vsub.s32 v20, v0  }
0xc9: {  	v20 =	vshll.u32 v20, $0x7;
	vm10 =	vgt.s32 v37, $0xFFFFFFFF;
	v38 =	vshll.u32 v37, $0x8  }
0xca: {  	vm11 =	vlt.s32 v37, v2;
	v20 =	vand.u32 $0x380, v20;
	v39 =	vand.u32 $0xFFFFF800, v38  }
0xcb: {  	vm0 =	vmand vm10, vm11;
	v20 =	vor.u32 v39, v20  }
0xcc: {  	v20 =	vor.u32 v10, v20;
	_ =	sdelay $0x4  }
0xcd: {  	[tilespmem:v20+s9+$0x0] =	vst.idx.msk vm0, v19  }
0xce: {  	v20 =	vld [tilespmem:$0x80];
	_ =	sdelay $0x4  }
0xcf: {  	v40 =	vsub.s32 v20, v0  }
0xd0: {  	v20 =	vshll.u32 v20, $0x7;
	vm12 =	vgt.s32 v40, $0xFFFFFFFF;
	v41 =	vshll.u32 v40, $0x8  }
0xd1: {  	vm13 =	vlt.s32 v40, v2;
	v20 =	vand.u32 $0x380, v20;
	v42 =	vand.u32 $0xFFFFF800, v41  }
0xd2: {  	vm0 =	vmand vm12, vm13;
	v20 =	vor.u32 v42, v20  }
0xd3: {  	v20 =	vor.u32 v11, v20;
	_ =	sdelay $0x4  }
0xd4: {  	[tilespmem:v20+s9+$0x0] =	vst.idx.msk vm0, v19  }
0xd5: {  	v20 =	vld [tilespmem:$0x90];
	_ =	sdelay $0x4  }
0xd6: {  	v43 =	vsub.s32 v20, v0  }
0xd7: {  	v20 =	vshll.u32 v20, $0x7;
	vm14 =	vgt.s32 v43, $0xFFFFFFFF;
	v44 =	vshll.u32 v43, $0x8  }
0xd8: {  	vm15 =	vlt.s32 v43, v2;
	v20 =	vand.u32 $0x380, v20;
	v45 =	vand.u32 $0xFFFFF800, v44  }
0xd9: {  	vm0 =	vmand vm14, vm15;
	v20 =	vor.u32 v45, v20  }
0xda: {  	v20 =	vor.u32 v12, v20;
	_ =	sdelay $0x4  }
0xdb: {  	[tilespmem:v20+s9+$0x0] =	vst.idx.msk vm0, v19  }
0xdc: {  	v20 =	vld [tilespmem:$0xA0];
	_ =	sdelay $0x4  }
0xdd: {  	v46 =	vsub.s32 v20, v0  }
0xde: {  	v20 =	vshll.u32 v20, $0x7;
	vm4 =	vgt.s32 v46, $0xFFFFFFFF;
	v47 =	vshll.u32 v46, $0x8  }
0xdf: {  	vm5 =	vlt.s32 v46, v2;
	v20 =	vand.u32 $0x380, v20;
	v48 =	vand.u32 $0xFFFFF800, v47  }
0xe0: {  	vm0 =	vmand vm4, vm5;
	v20 =	vor.u32 v48, v20  }
0xe1: {  	v20 =	vor.u32 v13, v20;
	_ =	sdelay $0x4  }
0xe2: {  	[tilespmem:v20+s9+$0x0] =	vst.idx.msk vm0, v19  }
0xe3: {  	v20 =	vld [tilespmem:$0xB0];
	_ =	sdelay $0x4  }
0xe4: {  	v49 =	vsub.s32 v20, v0  }
0xe5: {  	v20 =	vshll.u32 v20, $0x7;
	vm6 =	vgt.s32 v49, $0xFFFFFFFF;
	v50 =	vshll.u32 v49, $0x8  }
0xe6: {  	vm7 =	vlt.s32 v49, v2;
	v20 =	vand.u32 $0x380, v20;
	v51 =	vand.u32 $0xFFFFF800, v50  }
0xe7: {  	vm0 =	vmand vm6, vm7;
	v20 =	vor.u32 v51, v20  }
0xe8: {  	v20 =	vor.u32 v14, v20;
	_ =	sdelay $0x4  }
0xe9: {  	[tilespmem:v20+s9+$0x0] =	vst.idx.msk vm0, v19  }
0xea: {  	v20 =	vld [tilespmem:$0xC0];
	_ =	sdelay $0x4  }
0xeb: {  	v52 =	vsub.s32 v20, v0  }
0xec: {  	v20 =	vshll.u32 v20, $0x7;
	vm8 =	vgt.s32 v52, $0xFFFFFFFF;
	v53 =	vshll.u32 v52, $0x8  }
0xed: {  	vm9 =	vlt.s32 v52, v2;
	v20 =	vand.u32 $0x380, v20;
	v54 =	vand.u32 $0xFFFFF800, v53  }
0xee: {  	vm0 =	vmand vm8, vm9;
	v20 =	vor.u32 v54, v20  }
0xef: {  	v20 =	vor.u32 v15, v20;
	_ =	sdelay $0x4  }
0xf0: {  	[tilespmem:v20+s9+$0x0] =	vst.idx.msk vm0, v19  }
0xf1: {  	v20 =	vld [tilespmem:$0xD0];
	_ =	sdelay $0x4  }
0xf2: {  	v55 =	vsub.s32 v20, v0  }
0xf3: {  	v20 =	vshll.u32 v20, $0x7;
	vm10 =	vgt.s32 v55, $0xFFFFFFFF;
	v56 =	vshll.u32 v55, $0x8  }
0xf4: {  	vm11 =	vlt.s32 v55, v2;
	v20 =	vand.u32 $0x380, v20;
	v57 =	vand.u32 $0xFFFFF800, v56  }
0xf5: {  	vm0 =	vmand vm10, vm11;
	v20 =	vor.u32 v57, v20  }
0xf6: {  	v20 =	vor.u32 v16, v20;
	_ =	sdelay $0x4  }
0xf7: {  	[tilespmem:v20+s9+$0x0] =	vst.idx.msk vm0, v19  }
0xf8: {  	v20 =	vld [tilespmem:$0xE0];
	_ =	sdelay $0x4  }
0xf9: {  	v58 =	vsub.s32 v20, v0  }
0xfa: {  	v20 =	vshll.u32 v20, $0x7;
	vm12 =	vgt.s32 v58, $0xFFFFFFFF;
	v59 =	vshll.u32 v58, $0x8  }
0xfb: {  	vm13 =	vlt.s32 v58, v2;
	v20 =	vand.u32 $0x380, v20;
	v60 =	vand.u32 $0xFFFFF800, v59  }
0xfc: {  	vm0 =	vmand vm12, vm13;
	v20 =	vor.u32 v60, v20  }
0xfd: {  	v20 =	vor.u32 v17, v20;
	_ =	sdelay $0x4  }
0xfe: {  	[tilespmem:v20+s9+$0x0] =	vst.idx.msk vm0, v19  }
0xff: {  	v20 =	vld [tilespmem:$0xF0];
	_ =	sdelay $0x4  }
0x100: {  	v61 =	vsub.s32 v20, v0  }
0x101: {  	v20 =	vshll.u32 v20, $0x7;
	vm14 =	vgt.s32 v61, $0xFFFFFFFF;
	v62 =	vshll.u32 v61, $0x8  }
0x102: {  	vm15 =	vlt.s32 v61, v2;
	v20 =	vand.u32 $0x380, v20;
	v63 =	vand.u32 $0xFFFFF800, v62  }
0x103: {  	s15 =	sadd.s32 $0x80, s15;
	vm0 =	vmand vm14, vm15;
	v20 =	vor.u32 v63, v20  }
0x104: {  	p1 =	sne.s32 s15, $0xD00;
	v20 =	vor.u32 v18, v20  }
.Ltmp0:
0x105: {  	_ = 	snop;
	(pc) =	sbr.rel @p1 .LBB2_2-.Ltmp0, $2  }
0x106: {  	_ =	sdelay $0x2  }
0x107: {  	s14 =	sadd.s32 $0x1000, s14;
	s16 =	sadd.s32 $0x7D000, s16;
	s17 =	sadd.s32 $0x7D000, s17;
	[tilespmem:v20+s9+$0x0] =	vst.idx.msk vm0, v19  }
0x108: {  	s13 =	sadd.s32 $0x1, s13  }
0x109: {  	p1 =	sne.s32 s13, s6  }
.Ltmp1:
0x10a: {  	_ = 	snop;
	(pc) =	sbr.rel @p1 .LBB2_1-.Ltmp1, $1  }
0x10b: {  	_ =	sdelay $0x3  }
0x10c: {  	_ =	sfence.sel $0x180000  }
0x10d: {  	[bflag:$0x0] =	sbarrier.arrive $0xFFFF  }
0x10e: {  	p0 =	sne.s32 s2, $0x0;
	_ =	strace $0x90000047  }
0x10f: {  	s0 =	sadd.s32 @!p0 $0x100000, s0;
	[bflag:$0x2] =	sbarrier.arrive $0xFFFF  }
0x110: {  	[sflag:s0] =	ssyncadd.tile.s32 @!p0 $0x1;
	_ =	shalt  }
.Lfunc_end2:
_tile_overlayer_lowered:
.L_overlay_start_2:
0x111: {  	(tag) =	ssettag $0x2  }
0x112: {  	s0 =	rddreg [dreg:$0x0];
	s2 =	stileid.u32  }
0x113: {  	s1 =	rddreg [dreg:$0x1];
	p0 =	sne.s32 s2, $0x0  }
0x114: {  	s3 =	rddreg [dreg:$0x2];
	[bflag:$0x3] =	sbarrier.arrive $0xFFFF;
	s2 =	simm.s32 @!p0 $0x1C02  }
0x115: {  	[timem:s3], [sflag:s2] =	dma.local @!p0 [hbm:s0], s1  }
0x116: {  	s0 =	simm.s32 @!p0 $0x2  }
0x117: {  	_ =	swait.ge @!p0 [sflag:s0], s1  }
0x118: {  	s1 =	ssub.s32 @!p0 $0x0, s1;
	[sflag:s0] =	ssyncset.done @!p0 $0x0  }
0x119: {  	[sflag:s0] =	ssyncadd.s32 @!p0 s1  }
0x11a: {  	[bflag:$0x3] =	sbarrier.arrive $0xFFFF  }
0x11b: {  	_ =	shalt  }

</sc_bundles>
